<compile_context>
chip_gen: v7x
topology: tpu7x:2x2x1
jax: 0.10.2.dev20260603
libtpu: 0.0.44.dev20260713+nightly
codegen_flags: <defaults>
</compile_context>

<pallas_src>
import functools

import jax
import jax.numpy as jnp
from jax import lax
from jax.experimental import pallas as pl
from jax.experimental.pallas import tpu as pltpu
from jax.experimental.pallas import tpu_sc as plsc

_VOCAB = 100000
_EMBED = 64
_N_FEAT = 36
_HIDDEN = 1024
_N_CLASSES = 3
_BATCH = 4096

_NC = 2
_NS = 16
_NW = _NC * _NS
_NP = _N_FEAT // 2
_BSTRIPE = _BATCH // _NW
_FPAD = 40


def _sc_gather_body(t_hbm, table_hbm, out_hbm, t_v, idx_v, buf, sem):
    wid = lax.axis_index("s") * _NC + lax.axis_index("c")
    b0 = wid * _BSTRIPE
    pltpu.sync_copy(t_hbm.at[pl.ds(b0, _BSTRIPE)], t_v)

    lane = lax.iota(jnp.int32, 16)

    def tbody(f, carry):
        col = jnp.full((16,), f, jnp.int32)
        for s in range(_BSTRIPE // 16):
            vals = plsc.load_gather(t_v, [lane + 16 * s, col])
            vals = jnp.where(
                vals < _SPLIT, 2 * vals,
                jnp.where(vals < 2 * _SPLIT, 2 * vals - (2 * _SPLIT - 1),
                          vals))
            idx_v[f, pl.ds(16 * s, 16)] = vals
        return carry

    lax.fori_loop(0, _N_FEAT, tbody, 0)

    (al, ar), (bl, br) = buf
    sem_a, sem_b = sem

    def fire(p, dl, dr, s):
        pltpu.async_copy(table_hbm.at[idx_v.at[2 * p]], dl, s)
        pltpu.async_copy(table_hbm.at[idx_v.at[2 * p + 1]], dr, s)

    def drain_write(p, dl, dr, s):
        pltpu.make_async_copy(table_hbm.at[pl.ds(0, _BSTRIPE)], dl, s).wait()
        pltpu.make_async_copy(table_hbm.at[pl.ds(0, _BSTRIPE)], dr, s).wait()
        dst = out_hbm.at[pl.ds(p * _BATCH + b0, _BSTRIPE)]
        pltpu.sync_copy(dl, dst.at[:, 0:_EMBED])
        pltpu.sync_copy(dr, dst.at[:, _EMBED:128])

    fire(0, al, ar, sem_a)

    def body(k, carry):
        p = 2 * k
        fire(p + 1, bl, br, sem_b)
        drain_write(p, al, ar, sem_a)

        @pl.when(p + 2 < _NP)
        def _():
            fire(p + 2, al, ar, sem_a)

        drain_write(p + 1, bl, br, sem_b)
        return carry

    lax.fori_loop(0, _NP // 2, body, 0)


_sc_gather = functools.partial(
    pl.kernel,
    mesh=plsc.VectorSubcoreMesh(core_axis_name="c", subcore_axis_name="s"),
    out_type=jax.ShapeDtypeStruct((_NP * _BATCH, 128), jnp.float32),
    scratch_types=[
        pltpu.VMEM((_BSTRIPE, _N_FEAT), jnp.int32),
        pltpu.VMEM((_N_FEAT, _BSTRIPE), jnp.int32),
        ((pltpu.VMEM((_BSTRIPE, _EMBED), jnp.float32),
          pltpu.VMEM((_BSTRIPE, _EMBED), jnp.float32)),
         (pltpu.VMEM((_BSTRIPE, _EMBED), jnp.float32),
          pltpu.VMEM((_BSTRIPE, _EMBED), jnp.float32))),
        (pltpu.SemaphoreType.DMA, pltpu.SemaphoreType.DMA),
    ],
    compiler_params=pltpu.CompilerParams(use_tc_tiling_on_sc=False,
                                         needs_layout_passes=False),
)(_sc_gather_body)


_PACK_BR = 4096
_NPBLK = 12
_SPLIT = _NPBLK * _PACK_BR
_NTAIL = _VOCAB - 2 * _SPLIT


def _tc_pack_body(ina_ref, inb_ref, tail_ref, out_ref):
    i = pl.program_id(0)

    @pl.when(i < _NPBLK)
    def _():
        out_ref[:, 0:_EMBED] = ina_ref[...].T
        out_ref[:, _EMBED:128] = inb_ref[...].T

    @pl.when(i == _NPBLK)
    def _():
        out_ref[0:_NTAIL // 2, :] = tail_ref[...]


def _tc_pack(embt, tail):
    return pl.pallas_call(
        _tc_pack_body,
        grid=(_NPBLK + 1,),
        in_specs=[
            pl.BlockSpec((_EMBED, _PACK_BR), lambda i: (0, i)),
            pl.BlockSpec((_EMBED, _PACK_BR), lambda i: (0, i + _NPBLK)),
            pl.BlockSpec((_NTAIL // 2, 128), lambda i: (0, 0)),
        ],
        out_specs=pl.BlockSpec((_PACK_BR, 128), lambda i: (i, 0)),
        out_shape=jax.ShapeDtypeStruct((_VOCAB // 2, 128), jnp.float32),
    )(embt, embt, tail)


_BB = 512
_NT_DIMS = (((1,), (1,)), ((), ()))


def _tc_mlp_body(x_ref, w1_ref, b1_ref, w2_ref, b2_ref, out_ref):
    xb = jnp.transpose(x_ref[...].astype(jnp.bfloat16), (1, 0, 2)).reshape(
        _BB, _N_FEAT * _EMBED)
    acc = b1_ref[...] + jnp.dot(xb, w1_ref[...],
                                preferred_element_type=jnp.float32)
    h = jnp.maximum(acc, 0.0)
    out = lax.dot_general(h, w2_ref[...], _NT_DIMS,
                          preferred_element_type=jnp.float32)
    out_ref[...] = out + b2_ref[...]


def _tc_mlp(x4, w1, b1, w2_pad, b2_pad):
    return pl.pallas_call(
        _tc_mlp_body,
        grid=(_BATCH // _BB,),
        in_specs=[
            pl.BlockSpec((_NP, _BB, 128), lambda i: (0, i, 0)),
            pl.BlockSpec((_N_FEAT * _EMBED, _HIDDEN), lambda i: (0, 0)),

            pl.BlockSpec((1, _HIDDEN), lambda i: (0, 0)),
            pl.BlockSpec((128, _HIDDEN), lambda i: (0, 0)),
            pl.BlockSpec((1, 128), lambda i: (0, 0)),
        ],
        out_specs=pl.BlockSpec((_BB, 128), lambda i: (i, 0)),
        out_shape=jax.ShapeDtypeStruct((_BATCH, 128), jnp.float32),
    )(x4, w1, b1, w2_pad, b2_pad)


def kernel(t, embeddings, W1, b1, W2, b2):
    tail = embeddings[2 * _SPLIT:].reshape(_NTAIL // 2, 128)
    packed = _tc_pack(embeddings.T, tail)
    table_rm = packed.reshape(_VOCAB, _EMBED)
    rows = _sc_gather(t.astype(jnp.int32), table_rm)
    x4 = rows.reshape(_NP, _BATCH, 128)

    w2_pad = jnp.zeros((128, _HIDDEN), jnp.float32).at[:_N_CLASSES, :].set(W2)
    b2_pad = jnp.zeros((128,), jnp.float32).at[:_N_CLASSES].set(b2)
    logits = _tc_mlp(x4, W1.T.astype(jnp.bfloat16), b1.reshape(1, _HIDDEN),
                     w2_pad, b2_pad.reshape(1, 128))
    return logits[:, :_N_CLASSES]

# --- scband reference (transcript-rebuilt; emitter-appended) ---
"""Pipeline reference for scband-parser-model-17136919511632 (READ-ONLY COPY).

The authoritative reference and input builder live on the scoring server;
editing this copy changes nothing except your own understanding.
"""

import jax, jax.numpy as jnp
import numpy as np

VOCAB = 100000
EMBED = 64
N_FEAT = 36
HIDDEN = 1024
N_CLASSES = 3
BATCH = 4096

def setup_inputs(seed: int = 0) -> dict:
    key = jax.random.key(seed)
    k_emb, k_t, k_w1, k_b1, k_w2, k_b2 = jax.random.split(key, 6)
    embeddings = jax.random.normal(k_emb, (VOCAB, EMBED), dtype=jnp.float32)
    t = jax.random.randint(k_t, (BATCH, N_FEAT), 0, VOCAB, dtype=jnp.int64)
    fan_in1 = N_FEAT * EMBED
    limit1 = float(np.sqrt(6.0 / (fan_in1 + HIDDEN)))
    W1 = jax.random.uniform(k_w1, (HIDDEN, fan_in1), dtype=jnp.float32, minval=-limit1, maxval=limit1)
    b1 = jnp.zeros((HIDDEN,), dtype=jnp.float32)
    limit2 = float(np.sqrt(6.0 / (HIDDEN + N_CLASSES)))
    W2 = jax.random.uniform(k_w2, (N_CLASSES, HIDDEN), dtype=jnp.float32, minval=-limit2, maxval=limit2)
    b2 = jnp.zeros((N_CLASSES,), dtype=jnp.float32)
    return {"t": t, "embeddings": embeddings, "W1": W1, "b1": b1, "W2": W2, "b2": b2}

def reference(t, embeddings, W1, b1, W2, b2):
    # embedding_lookup: gather rows then flatten per example
    x = jnp.take(embeddings, t, axis=0)            # (B, n_features, embed)
    x = x.reshape(x.shape[0], x.shape[1] * x.shape[2])  # (B, n_features*embed)
    h = jax.nn.relu(x @ W1.T + b1)                 # (B, hidden)
    # dropout is identity in eval mode
    logits = h @ W2.T + b2                         # (B, n_classes)
    return logits

if __name__ == "__main__":
    import jax
    _d = setup_inputs()
    print(jax.jit(kernel)(*tuple(_d.values())))

</pallas_src>

<mosaic_0001>
#map = affine_map<(d0, d1) -> (0, 0)>
module attributes {stable_mosaic.version = 14 : i64} {
  func.func @_sc_gather_body(%arg0: i32, %arg1: i32, %arg2: memref<4096x36xi32, #tpu.memory_space<hbm>>, %arg3: memref<100000x64xf32, #tpu.memory_space<hbm>>, %arg4: memref<73728x128xf32, #tpu.memory_space<hbm>>, %arg5: memref<128x36xi32, #tpu.memory_space<vmem>>, %arg6: memref<36x128xi32, #tpu.memory_space<vmem>>, %arg7: memref<128x64xf32, #tpu.memory_space<vmem>>, %arg8: memref<128x64xf32, #tpu.memory_space<vmem>>, %arg9: memref<128x64xf32, #tpu.memory_space<vmem>>, %arg10: memref<128x64xf32, #tpu.memory_space<vmem>>, %arg11: memref<!tpu.dma_semaphore, #tpu.memory_space<semaphore_mem>>, %arg12: memref<!tpu.dma_semaphore, #tpu.memory_space<semaphore_mem>>) attributes {dimension_semantics = [#tpu.dimension_semantics<core_parallel>, #tpu.dimension_semantics<subcore_parallel>], iteration_bounds = array<i64: 2, 16>, scalar_prefetch = 0 : i64, scratch_operands = 8 : i64, tpu.core_type = #tpu.core_type<sc_vector_subcore>, window_params = [{transform_indices = #map}, {transform_indices = #map}, {transform_indices = #map}]} {
    %mul3A = arith.constant 2 : i32
    %mul3A_0 = arith.muli %arg1, %mul3A : i32
    %add3A = arith.addi %mul3A_0, %arg0 : i32
    %mul3A_1 = arith.constant 128 : i32
    %mul3A_2 = arith.muli %add3A, %mul3A_1 : i32
    "tpu.region"() ({
      %run_scoped3A = tpu.sem_alloc : memref<!tpu.dma_semaphore, #tpu.memory_space<semaphore_mem>>
      %dma_start3A_27 = arith.constant 0 : i32
      %dma_start3A_28 = tpu.memref_slice %arg2[%mul3A_2, %dma_start3A_27] : memref<4096x36xi32, #tpu.memory_space<hbm>> -> memref<128x36xi32, #tpu.memory_space<hbm>>
      %dma_start3A_29 = arith.constant 0 : i32
      %dma_start3A_30 = tpu.memref_slice %arg2[%mul3A_2, %dma_start3A_29] : memref<4096x36xi32, #tpu.memory_space<hbm>> -> memref<128x36xi32, #tpu.memory_space<hbm>>
      tpu.enqueue_dma source(%dma_start3A_30 : memref<128x36xi32, #tpu.memory_space<hbm>>) target(%arg5 : memref<128x36xi32, #tpu.memory_space<vmem>>) target_semaphore(%run_scoped3A : memref<!tpu.dma_semaphore, #tpu.memory_space<semaphore_mem>>)
      %dma_wait3A = arith.constant 0 : i32
      %dma_wait3A_31 = tpu.memref_slice %arg2[%mul3A_2, %dma_wait3A] : memref<4096x36xi32, #tpu.memory_space<hbm>> -> memref<128x36xi32, #tpu.memory_space<hbm>>
      %dma_wait3A_32 = arith.constant 0 : i32
      %dma_wait3A_33 = tpu.memref_slice %arg2[%mul3A_2, %dma_wait3A_32] : memref<4096x36xi32, #tpu.memory_space<hbm>> -> memref<128x36xi32, #tpu.memory_space<hbm>>
      tpu.wait_dma2 semaphore(%run_scoped3A : memref<!tpu.dma_semaphore, #tpu.memory_space<semaphore_mem>>) src(%dma_wait3A_33 : memref<128x36xi32, #tpu.memory_space<hbm>>) dst(%arg5 : memref<128x36xi32, #tpu.memory_space<vmem>>)
      tpu.yield
    }) : () -> ()
    %iota3A = tpu.iota {dimensions = array<i32: 0>} : vector<16xi32>
    %scan3A = arith.constant 0 : i32
    %scan3A_3 = arith.constant 0 : i32
    %scan3A_4 = arith.constant 36 : i32
    %scan3A_5 = arith.addi %scan3A_3, %scan3A_4 : i32
    %scan3A_6 = arith.constant 1 : i32
    scf.for %scan3A_27 = %scan3A_3 to %scan3A_5 step %scan3A_6  : i32 {
      %broadcast_in_dim3A = vector.broadcast %scan3A_27 : i32 to vector<16xi32>
      %add3A_28 = arith.constant 0 : i32
      %add3A_29 = vector.broadcast %add3A_28 : i32 to vector<16xi32>
      %add3A_30 = arith.addi %iota3A, %add3A_29 : vector<16xi32>
      %gather3A = tpu.vector_load_idx %arg5[%add3A_30, %broadcast_in_dim3A] : memref<128x36xi32, #tpu.memory_space<vmem>>[vector<16xi32>, vector<16xi32>], vector<16xi32>,
      %lt3A = arith.constant 49152 : i32
      %lt3A_31 = vector.broadcast %lt3A : i32 to vector<16xi32>
      %lt3A_32 = arith.cmpi slt, %gather3A, %lt3A_31 : vector<16xi32>
      %mul3A_33 = arith.constant 2 : i32
      %mul3A_34 = vector.broadcast %mul3A_33 : i32 to vector<16xi32>
      %mul3A_35 = arith.muli %mul3A_34, %gather3A : vector<16xi32>
      %lt3A_36 = arith.constant 98304 : i32
      %lt3A_37 = vector.broadcast %lt3A_36 : i32 to vector<16xi32>
      %lt3A_38 = arith.cmpi slt, %gather3A, %lt3A_37 : vector<16xi32>
      %mul3A_39 = arith.constant 2 : i32
      %mul3A_40 = vector.broadcast %mul3A_39 : i32 to vector<16xi32>
      %mul3A_41 = arith.muli %mul3A_40, %gather3A : vector<16xi32>
      %sub3A = arith.constant 98303 : i32
      %sub3A_42 = vector.broadcast %sub3A : i32 to vector<16xi32>
      %sub3A_43 = arith.subi %mul3A_41, %sub3A_42 : vector<16xi32>
      %select_n3A = arith.select %lt3A_38, %sub3A_43, %gather3A : vector<16xi1>, vector<16xi32>
      %select_n3A_44 = arith.select %lt3A_32, %mul3A_35, %select_n3A : vector<16xi1>, vector<16xi32>
      %swap3A = arith.index_cast %scan3A_27 : i32 to index
      %swap3A_45 = arith.constant 0 : index
      %swap3A_46 = tpu.vector_load %arg6[%swap3A, %swap3A_45] {strides = array<i32>} : memref<36x128xi32, #tpu.memory_space<vmem>>, vector<16xi32>,
      tpu.vector_store %arg6[%swap3A, %swap3A_45], %select_n3A_44 {strides = array<i32>} : memref<36x128xi32, #tpu.memory_space<vmem>>, vector<16xi32>,
      %add3A_47 = arith.constant 16 : i32
      %add3A_48 = vector.broadcast %add3A_47 : i32 to vector<16xi32>
      %add3A_49 = arith.addi %iota3A, %add3A_48 : vector<16xi32>
      %gather3A_50 = tpu.vector_load_idx %arg5[%add3A_49, %broadcast_in_dim3A] : memref<128x36xi32, #tpu.memory_space<vmem>>[vector<16xi32>, vector<16xi32>], vector<16xi32>,
      %lt3A_51 = arith.constant 49152 : i32
      %lt3A_52 = vector.broadcast %lt3A_51 : i32 to vector<16xi32>
      %lt3A_53 = arith.cmpi slt, %gather3A_50, %lt3A_52 : vector<16xi32>
      %mul3A_54 = arith.constant 2 : i32
      %mul3A_55 = vector.broadcast %mul3A_54 : i32 to vector<16xi32>
      %mul3A_56 = arith.muli %mul3A_55, %gather3A_50 : vector<16xi32>
      %lt3A_57 = arith.constant 98304 : i32
      %lt3A_58 = vector.broadcast %lt3A_57 : i32 to vector<16xi32>
      %lt3A_59 = arith.cmpi slt, %gather3A_50, %lt3A_58 : vector<16xi32>
      %mul3A_60 = arith.constant 2 : i32
      %mul3A_61 = vector.broadcast %mul3A_60 : i32 to vector<16xi32>
      %mul3A_62 = arith.muli %mul3A_61, %gather3A_50 : vector<16xi32>
      %sub3A_63 = arith.constant 98303 : i32
      %sub3A_64 = vector.broadcast %sub3A_63 : i32 to vector<16xi32>
      %sub3A_65 = arith.subi %mul3A_62, %sub3A_64 : vector<16xi32>
      %select_n3A_66 = arith.select %lt3A_59, %sub3A_65, %gather3A_50 : vector<16xi1>, vector<16xi32>
      %select_n3A_67 = arith.select %lt3A_53, %mul3A_56, %select_n3A_66 : vector<16xi1>, vector<16xi32>
      %swap3A_68 = arith.index_cast %scan3A_27 : i32 to index
      %swap3A_69 = arith.constant 16 : index
      %swap3A_70 = tpu.vector_load %arg6[%swap3A_68, %swap3A_69] {strides = array<i32>} : memref<36x128xi32, #tpu.memory_space<vmem>>, vector<16xi32>,
      tpu.vector_store %arg6[%swap3A_68, %swap3A_69], %select_n3A_67 {strides = array<i32>} : memref<36x128xi32, #tpu.memory_space<vmem>>, vector<16xi32>,
      %add3A_71 = arith.constant 32 : i32
      %add3A_72 = vector.broadcast %add3A_71 : i32 to vector<16xi32>
      %add3A_73 = arith.addi %iota3A, %add3A_72 : vector<16xi32>
      %gather3A_74 = tpu.vector_load_idx %arg5[%add3A_73, %broadcast_in_dim3A] : memref<128x36xi32, #tpu.memory_space<vmem>>[vector<16xi32>, vector<16xi32>], vector<16xi32>,
      %lt3A_75 = arith.constant 49152 : i32
      %lt3A_76 = vector.broadcast %lt3A_75 : i32 to vector<16xi32>
      %lt3A_77 = arith.cmpi slt, %gather3A_74, %lt3A_76 : vector<16xi32>
      %mul3A_78 = arith.constant 2 : i32
      %mul3A_79 = vector.broadcast %mul3A_78 : i32 to vector<16xi32>
      %mul3A_80 = arith.muli %mul3A_79, %gather3A_74 : vector<16xi32>
      %lt3A_81 = arith.constant 98304 : i32
      %lt3A_82 = vector.broadcast %lt3A_81 : i32 to vector<16xi32>
      %lt3A_83 = arith.cmpi slt, %gather3A_74, %lt3A_82 : vector<16xi32>
      %mul3A_84 = arith.constant 2 : i32
      %mul3A_85 = vector.broadcast %mul3A_84 : i32 to vector<16xi32>
      %mul3A_86 = arith.muli %mul3A_85, %gather3A_74 : vector<16xi32>
      %sub3A_87 = arith.constant 98303 : i32
      %sub3A_88 = vector.broadcast %sub3A_87 : i32 to vector<16xi32>
      %sub3A_89 = arith.subi %mul3A_86, %sub3A_88 : vector<16xi32>
      %select_n3A_90 = arith.select %lt3A_83, %sub3A_89, %gather3A_74 : vector<16xi1>, vector<16xi32>
      %select_n3A_91 = arith.select %lt3A_77, %mul3A_80, %select_n3A_90 : vector<16xi1>, vector<16xi32>
      %swap3A_92 = arith.index_cast %scan3A_27 : i32 to index
      %swap3A_93 = arith.constant 32 : index
      %swap3A_94 = tpu.vector_load %arg6[%swap3A_92, %swap3A_93] {strides = array<i32>} : memref<36x128xi32, #tpu.memory_space<vmem>>, vector<16xi32>,
      tpu.vector_store %arg6[%swap3A_92, %swap3A_93], %select_n3A_91 {strides = array<i32>} : memref<36x128xi32, #tpu.memory_space<vmem>>, vector<16xi32>,
      %add3A_95 = arith.constant 48 : i32
      %add3A_96 = vector.broadcast %add3A_95 : i32 to vector<16xi32>
      %add3A_97 = arith.addi %iota3A, %add3A_96 : vector<16xi32>
      %gather3A_98 = tpu.vector_load_idx %arg5[%add3A_97, %broadcast_in_dim3A] : memref<128x36xi32, #tpu.memory_space<vmem>>[vector<16xi32>, vector<16xi32>], vector<16xi32>,
      %lt3A_99 = arith.constant 49152 : i32
      %lt3A_100 = vector.broadcast %lt3A_99 : i32 to vector<16xi32>
      %lt3A_101 = arith.cmpi slt, %gather3A_98, %lt3A_100 : vector<16xi32>
      %mul3A_102 = arith.constant 2 : i32
      %mul3A_103 = vector.broadcast %mul3A_102 : i32 to vector<16xi32>
      %mul3A_104 = arith.muli %mul3A_103, %gather3A_98 : vector<16xi32>
      %lt3A_105 = arith.constant 98304 : i32
      %lt3A_106 = vector.broadcast %lt3A_105 : i32 to vector<16xi32>
      %lt3A_107 = arith.cmpi slt, %gather3A_98, %lt3A_106 : vector<16xi32>
      %mul3A_108 = arith.constant 2 : i32
      %mul3A_109 = vector.broadcast %mul3A_108 : i32 to vector<16xi32>
      %mul3A_110 = arith.muli %mul3A_109, %gather3A_98 : vector<16xi32>
      %sub3A_111 = arith.constant 98303 : i32
      %sub3A_112 = vector.broadcast %sub3A_111 : i32 to vector<16xi32>
      %sub3A_113 = arith.subi %mul3A_110, %sub3A_112 : vector<16xi32>
      %select_n3A_114 = arith.select %lt3A_107, %sub3A_113, %gather3A_98 : vector<16xi1>, vector<16xi32>
      %select_n3A_115 = arith.select %lt3A_101, %mul3A_104, %select_n3A_114 : vector<16xi1>, vector<16xi32>
      %swap3A_116 = arith.index_cast %scan3A_27 : i32 to index
      %swap3A_117 = arith.constant 48 : index
      %swap3A_118 = tpu.vector_load %arg6[%swap3A_116, %swap3A_117] {strides = array<i32>} : memref<36x128xi32, #tpu.memory_space<vmem>>, vector<16xi32>,
      tpu.vector_store %arg6[%swap3A_116, %swap3A_117], %select_n3A_115 {strides = array<i32>} : memref<36x128xi32, #tpu.memory_space<vmem>>, vector<16xi32>,
      %add3A_119 = arith.constant 64 : i32
      %add3A_120 = vector.broadcast %add3A_119 : i32 to vector<16xi32>
      %add3A_121 = arith.addi %iota3A, %add3A_120 : vector<16xi32>
      %gather3A_122 = tpu.vector_load_idx %arg5[%add3A_121, %broadcast_in_dim3A] : memref<128x36xi32, #tpu.memory_space<vmem>>[vector<16xi32>, vector<16xi32>], vector<16xi32>,
      %lt3A_123 = arith.constant 49152 : i32
      %lt3A_124 = vector.broadcast %lt3A_123 : i32 to vector<16xi32>
      %lt3A_125 = arith.cmpi slt, %gather3A_122, %lt3A_124 : vector<16xi32>
      %mul3A_126 = arith.constant 2 : i32
      %mul3A_127 = vector.broadcast %mul3A_126 : i32 to vector<16xi32>
      %mul3A_128 = arith.muli %mul3A_127, %gather3A_122 : vector<16xi32>
      %lt3A_129 = arith.constant 98304 : i32
      %lt3A_130 = vector.broadcast %lt3A_129 : i32 to vector<16xi32>
      %lt3A_131 = arith.cmpi slt, %gather3A_122, %lt3A_130 : vector<16xi32>
      %mul3A_132 = arith.constant 2 : i32
      %mul3A_133 = vector.broadcast %mul3A_132 : i32 to vector<16xi32>
      %mul3A_134 = arith.muli %mul3A_133, %gather3A_122 : vector<16xi32>
      %sub3A_135 = arith.constant 98303 : i32
      %sub3A_136 = vector.broadcast %sub3A_135 : i32 to vector<16xi32>
      %sub3A_137 = arith.subi %mul3A_134, %sub3A_136 : vector<16xi32>
      %select_n3A_138 = arith.select %lt3A_131, %sub3A_137, %gather3A_122 : vector<16xi1>, vector<16xi32>
      %select_n3A_139 = arith.select %lt3A_125, %mul3A_128, %select_n3A_138 : vector<16xi1>, vector<16xi32>
      %swap3A_140 = arith.index_cast %scan3A_27 : i32 to index
      %swap3A_141 = arith.constant 64 : index
      %swap3A_142 = tpu.vector_load %arg6[%swap3A_140, %swap3A_141] {strides = array<i32>} : memref<36x128xi32, #tpu.memory_space<vmem>>, vector<16xi32>,
      tpu.vector_store %arg6[%swap3A_140, %swap3A_141], %select_n3A_139 {strides = array<i32>} : memref<36x128xi32, #tpu.memory_space<vmem>>, vector<16xi32>,
      %add3A_143 = arith.constant 80 : i32
      %add3A_144 = vector.broadcast %add3A_143 : i32 to vector<16xi32>
      %add3A_145 = arith.addi %iota3A, %add3A_144 : vector<16xi32>
      %gather3A_146 = tpu.vector_load_idx %arg5[%add3A_145, %broadcast_in_dim3A] : memref<128x36xi32, #tpu.memory_space<vmem>>[vector<16xi32>, vector<16xi32>], vector<16xi32>,
      %lt3A_147 = arith.constant 49152 : i32
      %lt3A_148 = vector.broadcast %lt3A_147 : i32 to vector<16xi32>
      %lt3A_149 = arith.cmpi slt, %gather3A_146, %lt3A_148 : vector<16xi32>
      %mul3A_150 = arith.constant 2 : i32
      %mul3A_151 = vector.broadcast %mul3A_150 : i32 to vector<16xi32>
      %mul3A_152 = arith.muli %mul3A_151, %gather3A_146 : vector<16xi32>
      %lt3A_153 = arith.constant 98304 : i32
      %lt3A_154 = vector.broadcast %lt3A_153 : i32 to vector<16xi32>
      %lt3A_155 = arith.cmpi slt, %gather3A_146, %lt3A_154 : vector<16xi32>
      %mul3A_156 = arith.constant 2 : i32
      %mul3A_157 = vector.broadcast %mul3A_156 : i32 to vector<16xi32>
      %mul3A_158 = arith.muli %mul3A_157, %gather3A_146 : vector<16xi32>
      %sub3A_159 = arith.constant 98303 : i32
      %sub3A_160 = vector.broadcast %sub3A_159 : i32 to vector<16xi32>
      %sub3A_161 = arith.subi %mul3A_158, %sub3A_160 : vector<16xi32>
      %select_n3A_162 = arith.select %lt3A_155, %sub3A_161, %gather3A_146 : vector<16xi1>, vector<16xi32>
      %select_n3A_163 = arith.select %lt3A_149, %mul3A_152, %select_n3A_162 : vector<16xi1>, vector<16xi32>
      %swap3A_164 = arith.index_cast %scan3A_27 : i32 to index
      %swap3A_165 = arith.constant 80 : index
      %swap3A_166 = tpu.vector_load %arg6[%swap3A_164, %swap3A_165] {strides = array<i32>} : memref<36x128xi32, #tpu.memory_space<vmem>>, vector<16xi32>,
      tpu.vector_store %arg6[%swap3A_164, %swap3A_165], %select_n3A_163 {strides = array<i32>} : memref<36x128xi32, #tpu.memory_space<vmem>>, vector<16xi32>,
      %add3A_167 = arith.constant 96 : i32
      %add3A_168 = vector.broadcast %add3A_167 : i32 to vector<16xi32>
      %add3A_169 = arith.addi %iota3A, %add3A_168 : vector<16xi32>
      %gather3A_170 = tpu.vector_load_idx %arg5[%add3A_169, %broadcast_in_dim3A] : memref<128x36xi32, #tpu.memory_space<vmem>>[vector<16xi32>, vector<16xi32>], vector<16xi32>,
      %lt3A_171 = arith.constant 49152 : i32
      %lt3A_172 = vector.broadcast %lt3A_171 : i32 to vector<16xi32>
      %lt3A_173 = arith.cmpi slt, %gather3A_170, %lt3A_172 : vector<16xi32>
      %mul3A_174 = arith.constant 2 : i32
      %mul3A_175 = vector.broadcast %mul3A_174 : i32 to vector<16xi32>
      %mul3A_176 = arith.muli %mul3A_175, %gather3A_170 : vector<16xi32>
      %lt3A_177 = arith.constant 98304 : i32
      %lt3A_178 = vector.broadcast %lt3A_177 : i32 to vector<16xi32>
      %lt3A_179 = arith.cmpi slt, %gather3A_170, %lt3A_178 : vector<16xi32>
      %mul3A_180 = arith.constant 2 : i32
      %mul3A_181 = vector.broadcast %mul3A_180 : i32 to vector<16xi32>
      %mul3A_182 = arith.muli %mul3A_181, %gather3A_170 : vector<16xi32>
      %sub3A_183 = arith.constant 98303 : i32
      %sub3A_184 = vector.broadcast %sub3A_183 : i32 to vector<16xi32>
      %sub3A_185 = arith.subi %mul3A_182, %sub3A_184 : vector<16xi32>
      %select_n3A_186 = arith.select %lt3A_179, %sub3A_185, %gather3A_170 : vector<16xi1>, vector<16xi32>
      %select_n3A_187 = arith.select %lt3A_173, %mul3A_176, %select_n3A_186 : vector<16xi1>, vector<16xi32>
      %swap3A_188 = arith.index_cast %scan3A_27 : i32 to index
      %swap3A_189 = arith.constant 96 : index
      %swap3A_190 = tpu.vector_load %arg6[%swap3A_188, %swap3A_189] {strides = array<i32>} : memref<36x128xi32, #tpu.memory_space<vmem>>, vector<16xi32>,
      tpu.vector_store %arg6[%swap3A_188, %swap3A_189], %select_n3A_187 {strides = array<i32>} : memref<36x128xi32, #tpu.memory_space<vmem>>, vector<16xi32>,
      %add3A_191 = arith.constant 112 : i32
      %add3A_192 = vector.broadcast %add3A_191 : i32 to vector<16xi32>
      %add3A_193 = arith.addi %iota3A, %add3A_192 : vector<16xi32>
      %gather3A_194 = tpu.vector_load_idx %arg5[%add3A_193, %broadcast_in_dim3A] : memref<128x36xi32, #tpu.memory_space<vmem>>[vector<16xi32>, vector<16xi32>], vector<16xi32>,
      %lt3A_195 = arith.constant 49152 : i32
      %lt3A_196 = vector.broadcast %lt3A_195 : i32 to vector<16xi32>
      %lt3A_197 = arith.cmpi slt, %gather3A_194, %lt3A_196 : vector<16xi32>
      %mul3A_198 = arith.constant 2 : i32
      %mul3A_199 = vector.broadcast %mul3A_198 : i32 to vector<16xi32>
      %mul3A_200 = arith.muli %mul3A_199, %gather3A_194 : vector<16xi32>
      %lt3A_201 = arith.constant 98304 : i32
      %lt3A_202 = vector.broadcast %lt3A_201 : i32 to vector<16xi32>
      %lt3A_203 = arith.cmpi slt, %gather3A_194, %lt3A_202 : vector<16xi32>
      %mul3A_204 = arith.constant 2 : i32
      %mul3A_205 = vector.broadcast %mul3A_204 : i32 to vector<16xi32>
      %mul3A_206 = arith.muli %mul3A_205, %gather3A_194 : vector<16xi32>
      %sub3A_207 = arith.constant 98303 : i32
      %sub3A_208 = vector.broadcast %sub3A_207 : i32 to vector<16xi32>
      %sub3A_209 = arith.subi %mul3A_206, %sub3A_208 : vector<16xi32>
      %select_n3A_210 = arith.select %lt3A_203, %sub3A_209, %gather3A_194 : vector<16xi1>, vector<16xi32>
      %select_n3A_211 = arith.select %lt3A_197, %mul3A_200, %select_n3A_210 : vector<16xi1>, vector<16xi32>
      %swap3A_212 = arith.index_cast %scan3A_27 : i32 to index
      %swap3A_213 = arith.constant 112 : index
      %swap3A_214 = tpu.vector_load %arg6[%swap3A_212, %swap3A_213] {strides = array<i32>} : memref<36x128xi32, #tpu.memory_space<vmem>>, vector<16xi32>,
      tpu.vector_store %arg6[%swap3A_212, %swap3A_213], %select_n3A_211 {strides = array<i32>} : memref<36x128xi32, #tpu.memory_space<vmem>>, vector<16xi32>,
    }
    %scan3A_7 = arith.constant 36 : i32
    %dma_start3A = arith.constant 0 : i32
    %dma_start3A_8 = arith.constant 0 : i32
    %dma_start3A_9 = tpu.memref_slice %arg6[%dma_start3A, %dma_start3A_8] : memref<36x128xi32, #tpu.memory_space<vmem>> -> memref<1x128xi32, #tpu.memory_space<vmem>>
    %dma_start3A_10 = tpu.memref_squeeze %dma_start3A_9 : memref<1x128xi32, #tpu.memory_space<vmem>> -> memref<128xi32, #tpu.memory_space<vmem>>
    %dma_start3A_11 = arith.constant 0 : i32
    %dma_start3A_12 = arith.constant 0 : i32
    %dma_start3A_13 = tpu.memref_slice %arg3[%dma_start3A_11, %dma_start3A_12] : memref<100000x64xf32, #tpu.memory_space<hbm>> -> memref<100000x64xf32, #tpu.memory_space<hbm>>
    tpu.enqueue_indirect_dma source(%dma_start3A_13 : memref<100000x64xf32, #tpu.memory_space<hbm>>) target(%arg7 : memref<128x64xf32, #tpu.memory_space<vmem>>) offsets(%dma_start3A_10 : memref<128xi32, #tpu.memory_space<vmem>>) semaphore(%arg11 : memref<!tpu.dma_semaphore, #tpu.memory_space<semaphore_mem>>)
    %dma_start3A_14 = arith.constant 1 : i32
    %dma_start3A_15 = arith.constant 0 : i32
    %dma_start3A_16 = tpu.memref_slice %arg6[%dma_start3A_14, %dma_start3A_15] : memref<36x128xi32, #tpu.memory_space<vmem>> -> memref<1x128xi32, #tpu.memory_space<vmem>>
    %dma_start3A_17 = tpu.memref_squeeze %dma_start3A_16 : memref<1x128xi32, #tpu.memory_space<vmem>> -> memref<128xi32, #tpu.memory_space<vmem>>
    %dma_start3A_18 = arith.constant 0 : i32
    %dma_start3A_19 = arith.constant 0 : i32
    %dma_start3A_20 = tpu.memref_slice %arg3[%dma_start3A_18, %dma_start3A_19] : memref<100000x64xf32, #tpu.memory_space<hbm>> -> memref<100000x64xf32, #tpu.memory_space<hbm>>
    tpu.enqueue_indirect_dma source(%dma_start3A_20 : memref<100000x64xf32, #tpu.memory_space<hbm>>) target(%arg8 : memref<128x64xf32, #tpu.memory_space<vmem>>) offsets(%dma_start3A_17 : memref<128xi32, #tpu.memory_space<vmem>>) semaphore(%arg11 : memref<!tpu.dma_semaphore, #tpu.memory_space<semaphore_mem>>)
    %scan3A_21 = arith.constant 0 : i32
    %scan3A_22 = arith.constant 0 : i32
    %scan3A_23 = arith.constant 9 : i32
    %scan3A_24 = arith.addi %scan3A_22, %scan3A_23 : i32
    %scan3A_25 = arith.constant 1 : i32
    scf.for %scan3A_27 = %scan3A_22 to %scan3A_24 step %scan3A_25  : i32 {
      %mul3A_28 = arith.constant 2 : i32
      %mul3A_29 = arith.muli %mul3A_28, %scan3A_27 : i32
      %add3A_30 = arith.constant 1 : i32
      %add3A_31 = arith.addi %mul3A_29, %add3A_30 : i32
      %mul3A_32 = arith.constant 2 : i32
      %mul3A_33 = arith.muli %mul3A_32, %add3A_31 : i32
      %dma_start3A_34 = arith.constant 0 : i32
      %dma_start3A_35 = tpu.memref_slice %arg6[%mul3A_33, %dma_start3A_34] : memref<36x128xi32, #tpu.memory_space<vmem>> -> memref<1x128xi32, #tpu.memory_space<vmem>>
      %dma_start3A_36 = tpu.memref_squeeze %dma_start3A_35 : memref<1x128xi32, #tpu.memory_space<vmem>> -> memref<128xi32, #tpu.memory_space<vmem>>
      %dma_start3A_37 = arith.constant 0 : i32
      %dma_start3A_38 = arith.constant 0 : i32
      %dma_start3A_39 = tpu.memref_slice %arg3[%dma_start3A_37, %dma_start3A_38] : memref<100000x64xf32, #tpu.memory_space<hbm>> -> memref<100000x64xf32, #tpu.memory_space<hbm>>
      tpu.enqueue_indirect_dma source(%dma_start3A_39 : memref<100000x64xf32, #tpu.memory_space<hbm>>) target(%arg9 : memref<128x64xf32, #tpu.memory_space<vmem>>) offsets(%dma_start3A_36 : memref<128xi32, #tpu.memory_space<vmem>>) semaphore(%arg12 : memref<!tpu.dma_semaphore, #tpu.memory_space<semaphore_mem>>)
      %mul3A_40 = arith.constant 2 : i32
      %mul3A_41 = arith.muli %mul3A_40, %add3A_31 : i32
      %add3A_42 = arith.constant 1 : i32
      %add3A_43 = arith.addi %mul3A_41, %add3A_42 : i32
      %dma_start3A_44 = arith.constant 0 : i32
      %dma_start3A_45 = tpu.memref_slice %arg6[%add3A_43, %dma_start3A_44] : memref<36x128xi32, #tpu.memory_space<vmem>> -> memref<1x128xi32, #tpu.memory_space<vmem>>
      %dma_start3A_46 = tpu.memref_squeeze %dma_start3A_45 : memref<1x128xi32, #tpu.memory_space<vmem>> -> memref<128xi32, #tpu.memory_space<vmem>>
      %dma_start3A_47 = arith.constant 0 : i32
      %dma_start3A_48 = arith.constant 0 : i32
      %dma_start3A_49 = tpu.memref_slice %arg3[%dma_start3A_47, %dma_start3A_48] : memref<100000x64xf32, #tpu.memory_space<hbm>> -> memref<100000x64xf32, #tpu.memory_space<hbm>>
      tpu.enqueue_indirect_dma source(%dma_start3A_49 : memref<100000x64xf32, #tpu.memory_space<hbm>>) target(%arg10 : memref<128x64xf32, #tpu.memory_space<vmem>>) offsets(%dma_start3A_46 : memref<128xi32, #tpu.memory_space<vmem>>) semaphore(%arg12 : memref<!tpu.dma_semaphore, #tpu.memory_space<semaphore_mem>>)
      %dma_wait3A = arith.constant 0 : i32
      %dma_wait3A_50 = arith.constant 0 : i32
      %dma_wait3A_51 = tpu.memref_slice %arg3[%dma_wait3A, %dma_wait3A_50] : memref<100000x64xf32, #tpu.memory_space<hbm>> -> memref<128x64xf32, #tpu.memory_space<hbm>>
      %dma_wait3A_52 = arith.constant 0 : i32
      %dma_wait3A_53 = arith.constant 0 : i32
      %dma_wait3A_54 = tpu.memref_slice %arg3[%dma_wait3A_52, %dma_wait3A_53] : memref<100000x64xf32, #tpu.memory_space<hbm>> -> memref<128x64xf32, #tpu.memory_space<hbm>>
      tpu.wait_dma2 semaphore(%arg11 : memref<!tpu.dma_semaphore, #tpu.memory_space<semaphore_mem>>) src(%dma_wait3A_54 : memref<128x64xf32, #tpu.memory_space<hbm>>) dst(%arg7 : memref<128x64xf32, #tpu.memory_space<vmem>>)
      %dma_wait3A_55 = arith.constant 0 : i32
      %dma_wait3A_56 = arith.constant 0 : i32
      %dma_wait3A_57 = tpu.memref_slice %arg3[%dma_wait3A_55, %dma_wait3A_56] : memref<100000x64xf32, #tpu.memory_space<hbm>> -> memref<128x64xf32, #tpu.memory_space<hbm>>
      %dma_wait3A_58 = arith.constant 0 : i32
      %dma_wait3A_59 = arith.constant 0 : i32
      %dma_wait3A_60 = tpu.memref_slice %arg3[%dma_wait3A_58, %dma_wait3A_59] : memref<100000x64xf32, #tpu.memory_space<hbm>> -> memref<128x64xf32, #tpu.memory_space<hbm>>
      tpu.wait_dma2 semaphore(%arg11 : memref<!tpu.dma_semaphore, #tpu.memory_space<semaphore_mem>>) src(%dma_wait3A_60 : memref<128x64xf32, #tpu.memory_space<hbm>>) dst(%arg8 : memref<128x64xf32, #tpu.memory_space<vmem>>)
      %mul3A_61 = arith.constant 4096 : i32
      %mul3A_62 = arith.muli %mul3A_29, %mul3A_61 : i32
      %add3A_63 = arith.addi %mul3A_62, %mul3A_2 : i32
      "tpu.region"() ({
        %run_scoped3A = tpu.sem_alloc : memref<!tpu.dma_semaphore, #tpu.memory_space<semaphore_mem>>
        %dma_start3A_85 = arith.constant 0 : i32
        %dma_start3A_86 = tpu.memref_slice %arg4[%add3A_63, %dma_start3A_85] : memref<73728x128xf32, #tpu.memory_space<hbm>> -> memref<128x128xf32, #tpu.memory_space<hbm>>
        %dma_start3A_87 = arith.constant 0 : i32
        %dma_start3A_88 = arith.constant 0 : i32
        %dma_start3A_89 = tpu.memref_slice %dma_start3A_86[%dma_start3A_87, %dma_start3A_88] : memref<128x128xf32, #tpu.memory_space<hbm>> -> memref<128x64xf32, #tpu.memory_space<hbm>>
        %dma_start3A_90 = arith.constant 0 : i32
        %dma_start3A_91 = tpu.memref_slice %arg4[%add3A_63, %dma_start3A_90] : memref<73728x128xf32, #tpu.memory_space<hbm>> -> memref<128x128xf32, #tpu.memory_space<hbm>>
        %dma_start3A_92 = arith.constant 0 : i32
        %dma_start3A_93 = arith.constant 0 : i32
        %dma_start3A_94 = tpu.memref_slice %dma_start3A_91[%dma_start3A_92, %dma_start3A_93] : memref<128x128xf32, #tpu.memory_space<hbm>> -> memref<128x64xf32, #tpu.memory_space<hbm>>
        tpu.enqueue_dma source(%arg7 : memref<128x64xf32, #tpu.memory_space<vmem>>) target(%dma_start3A_94 : memref<128x64xf32, #tpu.memory_space<hbm>>) target_semaphore(%run_scoped3A : memref<!tpu.dma_semaphore, #tpu.memory_space<semaphore_mem>>)
        %dma_wait3A_95 = arith.constant 0 : i32
        %dma_wait3A_96 = tpu.memref_slice %arg4[%add3A_63, %dma_wait3A_95] : memref<73728x128xf32, #tpu.memory_space<hbm>> -> memref<128x128xf32, #tpu.memory_space<hbm>>
        %dma_wait3A_97 = arith.constant 0 : i32
        %dma_wait3A_98 = arith.constant 0 : i32
        %dma_wait3A_99 = tpu.memref_slice %dma_wait3A_96[%dma_wait3A_97, %dma_wait3A_98] : memref<128x128xf32, #tpu.memory_space<hbm>> -> memref<128x64xf32, #tpu.memory_space<hbm>>
        %dma_wait3A_100 = arith.constant 0 : i32
        %dma_wait3A_101 = tpu.memref_slice %arg4[%add3A_63, %dma_wait3A_100] : memref<73728x128xf32, #tpu.memory_space<hbm>> -> memref<128x128xf32, #tpu.memory_space<hbm>>
        %dma_wait3A_102 = arith.constant 0 : i32
        %dma_wait3A_103 = arith.constant 0 : i32
        %dma_wait3A_104 = tpu.memref_slice %dma_wait3A_101[%dma_wait3A_102, %dma_wait3A_103] : memref<128x128xf32, #tpu.memory_space<hbm>> -> memref<128x64xf32, #tpu.memory_space<hbm>>
        tpu.wait_dma2 semaphore(%run_scoped3A : memref<!tpu.dma_semaphore, #tpu.memory_space<semaphore_mem>>) src(%arg7 : memref<128x64xf32, #tpu.memory_space<vmem>>) dst(%dma_wait3A_104 : memref<128x64xf32, #tpu.memory_space<hbm>>)
        tpu.yield
      }) : () -> ()
      "tpu.region"() ({
        %run_scoped3A = tpu.sem_alloc : memref<!tpu.dma_semaphore, #tpu.memory_space<semaphore_mem>>
        %dma_start3A_85 = arith.constant 0 : i32
        %dma_start3A_86 = tpu.memref_slice %arg4[%add3A_63, %dma_start3A_85] : memref<73728x128xf32, #tpu.memory_space<hbm>> -> memref<128x128xf32, #tpu.memory_space<hbm>>
        %dma_start3A_87 = arith.constant 0 : i32
        %dma_start3A_88 = arith.constant 64 : i32
        %dma_start3A_89 = tpu.memref_slice %dma_start3A_86[%dma_start3A_87, %dma_start3A_88] : memref<128x128xf32, #tpu.memory_space<hbm>> -> memref<128x64xf32, #tpu.memory_space<hbm>>
        %dma_start3A_90 = arith.constant 0 : i32
        %dma_start3A_91 = tpu.memref_slice %arg4[%add3A_63, %dma_start3A_90] : memref<73728x128xf32, #tpu.memory_space<hbm>> -> memref<128x128xf32, #tpu.memory_space<hbm>>
        %dma_start3A_92 = arith.constant 0 : i32
        %dma_start3A_93 = arith.constant 64 : i32
        %dma_start3A_94 = tpu.memref_slice %dma_start3A_91[%dma_start3A_92, %dma_start3A_93] : memref<128x128xf32, #tpu.memory_space<hbm>> -> memref<128x64xf32, #tpu.memory_space<hbm>>
        tpu.enqueue_dma source(%arg8 : memref<128x64xf32, #tpu.memory_space<vmem>>) target(%dma_start3A_94 : memref<128x64xf32, #tpu.memory_space<hbm>>) target_semaphore(%run_scoped3A : memref<!tpu.dma_semaphore, #tpu.memory_space<semaphore_mem>>)
        %dma_wait3A_95 = arith.constant 0 : i32
        %dma_wait3A_96 = tpu.memref_slice %arg4[%add3A_63, %dma_wait3A_95] : memref<73728x128xf32, #tpu.memory_space<hbm>> -> memref<128x128xf32, #tpu.memory_space<hbm>>
        %dma_wait3A_97 = arith.constant 0 : i32
        %dma_wait3A_98 = arith.constant 64 : i32
        %dma_wait3A_99 = tpu.memref_slice %dma_wait3A_96[%dma_wait3A_97, %dma_wait3A_98] : memref<128x128xf32, #tpu.memory_space<hbm>> -> memref<128x64xf32, #tpu.memory_space<hbm>>
        %dma_wait3A_100 = arith.constant 0 : i32
        %dma_wait3A_101 = tpu.memref_slice %arg4[%add3A_63, %dma_wait3A_100] : memref<73728x128xf32, #tpu.memory_space<hbm>> -> memref<128x128xf32, #tpu.memory_space<hbm>>
        %dma_wait3A_102 = arith.constant 0 : i32
        %dma_wait3A_103 = arith.constant 64 : i32
        %dma_wait3A_104 = tpu.memref_slice %dma_wait3A_101[%dma_wait3A_102, %dma_wait3A_103] : memref<128x128xf32, #tpu.memory_space<hbm>> -> memref<128x64xf32, #tpu.memory_space<hbm>>
        tpu.wait_dma2 semaphore(%run_scoped3A : memref<!tpu.dma_semaphore, #tpu.memory_space<semaphore_mem>>) src(%arg8 : memref<128x64xf32, #tpu.memory_space<vmem>>) dst(%dma_wait3A_104 : memref<128x64xf32, #tpu.memory_space<hbm>>)
        tpu.yield
      }) : () -> ()
      %add3A_64 = arith.constant 2 : i32
      %add3A_65 = arith.addi %mul3A_29, %add3A_64 : i32
      %lt3A = arith.constant 18 : i32
      %lt3A_66 = arith.cmpi slt, %add3A_65, %lt3A : i32
      %convert_element_type3A = arith.extui %lt3A_66 : i1 to i32
      %cond3A = arith.constant 0 : i32
      %cond3A_67 = arith.cmpi ne, %convert_element_type3A, %cond3A : i32
      scf.if %cond3A_67 {
        %add3A_85 = arith.constant 2 : i32
        %add3A_86 = arith.addi %mul3A_29, %add3A_85 : i32
        %mul3A_87 = arith.constant 2 : i32
        %mul3A_88 = arith.muli %mul3A_87, %add3A_86 : i32
        %dma_start3A_89 = arith.constant 0 : i32
        %dma_start3A_90 = tpu.memref_slice %arg6[%mul3A_88, %dma_start3A_89] : memref<36x128xi32, #tpu.memory_space<vmem>> -> memref<1x128xi32, #tpu.memory_space<vmem>>
        %dma_start3A_91 = tpu.memref_squeeze %dma_start3A_90 : memref<1x128xi32, #tpu.memory_space<vmem>> -> memref<128xi32, #tpu.memory_space<vmem>>
        %dma_start3A_92 = arith.constant 0 : i32
        %dma_start3A_93 = arith.constant 0 : i32
        %dma_start3A_94 = tpu.memref_slice %arg3[%dma_start3A_92, %dma_start3A_93] : memref<100000x64xf32, #tpu.memory_space<hbm>> -> memref<100000x64xf32, #tpu.memory_space<hbm>>
        tpu.enqueue_indirect_dma source(%dma_start3A_94 : memref<100000x64xf32, #tpu.memory_space<hbm>>) target(%arg7 : memref<128x64xf32, #tpu.memory_space<vmem>>) offsets(%dma_start3A_91 : memref<128xi32, #tpu.memory_space<vmem>>) semaphore(%arg11 : memref<!tpu.dma_semaphore, #tpu.memory_space<semaphore_mem>>)
        %mul3A_95 = arith.constant 2 : i32
        %mul3A_96 = arith.muli %mul3A_95, %add3A_86 : i32
        %add3A_97 = arith.constant 1 : i32
        %add3A_98 = arith.addi %mul3A_96, %add3A_97 : i32
        %dma_start3A_99 = arith.constant 0 : i32
        %dma_start3A_100 = tpu.memref_slice %arg6[%add3A_98, %dma_start3A_99] : memref<36x128xi32, #tpu.memory_space<vmem>> -> memref<1x128xi32, #tpu.memory_space<vmem>>
        %dma_start3A_101 = tpu.memref_squeeze %dma_start3A_100 : memref<1x128xi32, #tpu.memory_space<vmem>> -> memref<128xi32, #tpu.memory_space<vmem>>
        %dma_start3A_102 = arith.constant 0 : i32
        %dma_start3A_103 = arith.constant 0 : i32
        %dma_start3A_104 = tpu.memref_slice %arg3[%dma_start3A_102, %dma_start3A_103] : memref<100000x64xf32, #tpu.memory_space<hbm>> -> memref<100000x64xf32, #tpu.memory_space<hbm>>
        tpu.enqueue_indirect_dma source(%dma_start3A_104 : memref<100000x64xf32, #tpu.memory_space<hbm>>) target(%arg8 : memref<128x64xf32, #tpu.memory_space<vmem>>) offsets(%dma_start3A_101 : memref<128xi32, #tpu.memory_space<vmem>>) semaphore(%arg11 : memref<!tpu.dma_semaphore, #tpu.memory_space<semaphore_mem>>)
      } else {
      }
      %add3A_68 = arith.constant 1 : i32
      %add3A_69 = arith.addi %mul3A_29, %add3A_68 : i32
      %dma_wait3A_70 = arith.constant 0 : i32
      %dma_wait3A_71 = arith.constant 0 : i32
      %dma_wait3A_72 = tpu.memref_slice %arg3[%dma_wait3A_70, %dma_wait3A_71] : memref<100000x64xf32, #tpu.memory_space<hbm>> -> memref<128x64xf32, #tpu.memory_space<hbm>>
      %dma_wait3A_73 = arith.constant 0 : i32
      %dma_wait3A_74 = arith.constant 0 : i32
      %dma_wait3A_75 = tpu.memref_slice %arg3[%dma_wait3A_73, %dma_wait3A_74] : memref<100000x64xf32, #tpu.memory_space<hbm>> -> memref<128x64xf32, #tpu.memory_space<hbm>>
      tpu.wait_dma2 semaphore(%arg12 : memref<!tpu.dma_semaphore, #tpu.memory_space<semaphore_mem>>) src(%dma_wait3A_75 : memref<128x64xf32, #tpu.memory_space<hbm>>) dst(%arg9 : memref<128x64xf32, #tpu.memory_space<vmem>>)
      %dma_wait3A_76 = arith.constant 0 : i32
      %dma_wait3A_77 = arith.constant 0 : i32
      %dma_wait3A_78 = tpu.memref_slice %arg3[%dma_wait3A_76, %dma_wait3A_77] : memref<100000x64xf32, #tpu.memory_space<hbm>> -> memref<128x64xf32, #tpu.memory_space<hbm>>
      %dma_wait3A_79 = arith.constant 0 : i32
      %dma_wait3A_80 = arith.constant 0 : i32
      %dma_wait3A_81 = tpu.memref_slice %arg3[%dma_wait3A_79, %dma_wait3A_80] : memref<100000x64xf32, #tpu.memory_space<hbm>> -> memref<128x64xf32, #tpu.memory_space<hbm>>
      tpu.wait_dma2 semaphore(%arg12 : memref<!tpu.dma_semaphore, #tpu.memory_space<semaphore_mem>>) src(%dma_wait3A_81 : memref<128x64xf32, #tpu.memory_space<hbm>>) dst(%arg10 : memref<128x64xf32, #tpu.memory_space<vmem>>)
      %mul3A_82 = arith.constant 4096 : i32
      %mul3A_83 = arith.muli %add3A_69, %mul3A_82 : i32
      %add3A_84 = arith.addi %mul3A_83, %mul3A_2 : i32
      "tpu.region"() ({
        %run_scoped3A = tpu.sem_alloc : memref<!tpu.dma_semaphore, #tpu.memory_space<semaphore_mem>>
        %dma_start3A_85 = arith.constant 0 : i32
        %dma_start3A_86 = tpu.memref_slice %arg4[%add3A_84, %dma_start3A_85] : memref<73728x128xf32, #tpu.memory_space<hbm>> -> memref<128x128xf32, #tpu.memory_space<hbm>>
        %dma_start3A_87 = arith.constant 0 : i32
        %dma_start3A_88 = arith.constant 0 : i32
        %dma_start3A_89 = tpu.memref_slice %dma_start3A_86[%dma_start3A_87, %dma_start3A_88] : memref<128x128xf32, #tpu.memory_space<hbm>> -> memref<128x64xf32, #tpu.memory_space<hbm>>
        %dma_start3A_90 = arith.constant 0 : i32
        %dma_start3A_91 = tpu.memref_slice %arg4[%add3A_84, %dma_start3A_90] : memref<73728x128xf32, #tpu.memory_space<hbm>> -> memref<128x128xf32, #tpu.memory_space<hbm>>
        %dma_start3A_92 = arith.constant 0 : i32
        %dma_start3A_93 = arith.constant 0 : i32
        %dma_start3A_94 = tpu.memref_slice %dma_start3A_91[%dma_start3A_92, %dma_start3A_93] : memref<128x128xf32, #tpu.memory_space<hbm>> -> memref<128x64xf32, #tpu.memory_space<hbm>>
        tpu.enqueue_dma source(%arg9 : memref<128x64xf32, #tpu.memory_space<vmem>>) target(%dma_start3A_94 : memref<128x64xf32, #tpu.memory_space<hbm>>) target_semaphore(%run_scoped3A : memref<!tpu.dma_semaphore, #tpu.memory_space<semaphore_mem>>)
        %dma_wait3A_95 = arith.constant 0 : i32
        %dma_wait3A_96 = tpu.memref_slice %arg4[%add3A_84, %dma_wait3A_95] : memref<73728x128xf32, #tpu.memory_space<hbm>> -> memref<128x128xf32, #tpu.memory_space<hbm>>
        %dma_wait3A_97 = arith.constant 0 : i32
        %dma_wait3A_98 = arith.constant 0 : i32
        %dma_wait3A_99 = tpu.memref_slice %dma_wait3A_96[%dma_wait3A_97, %dma_wait3A_98] : memref<128x128xf32, #tpu.memory_space<hbm>> -> memref<128x64xf32, #tpu.memory_space<hbm>>
        %dma_wait3A_100 = arith.constant 0 : i32
        %dma_wait3A_101 = tpu.memref_slice %arg4[%add3A_84, %dma_wait3A_100] : memref<73728x128xf32, #tpu.memory_space<hbm>> -> memref<128x128xf32, #tpu.memory_space<hbm>>
        %dma_wait3A_102 = arith.constant 0 : i32
        %dma_wait3A_103 = arith.constant 0 : i32
        %dma_wait3A_104 = tpu.memref_slice %dma_wait3A_101[%dma_wait3A_102, %dma_wait3A_103] : memref<128x128xf32, #tpu.memory_space<hbm>> -> memref<128x64xf32, #tpu.memory_space<hbm>>
        tpu.wait_dma2 semaphore(%run_scoped3A : memref<!tpu.dma_semaphore, #tpu.memory_space<semaphore_mem>>) src(%arg9 : memref<128x64xf32, #tpu.memory_space<vmem>>) dst(%dma_wait3A_104 : memref<128x64xf32, #tpu.memory_space<hbm>>)
        tpu.yield
      }) : () -> ()
      "tpu.region"() ({
        %run_scoped3A = tpu.sem_alloc : memref<!tpu.dma_semaphore, #tpu.memory_space<semaphore_mem>>
        %dma_start3A_85 = arith.constant 0 : i32
        %dma_start3A_86 = tpu.memref_slice %arg4[%add3A_84, %dma_start3A_85] : memref<73728x128xf32, #tpu.memory_space<hbm>> -> memref<128x128xf32, #tpu.memory_space<hbm>>
        %dma_start3A_87 = arith.constant 0 : i32
        %dma_start3A_88 = arith.constant 64 : i32
        %dma_start3A_89 = tpu.memref_slice %dma_start3A_86[%dma_start3A_87, %dma_start3A_88] : memref<128x128xf32, #tpu.memory_space<hbm>> -> memref<128x64xf32, #tpu.memory_space<hbm>>
        %dma_start3A_90 = arith.constant 0 : i32
        %dma_start3A_91 = tpu.memref_slice %arg4[%add3A_84, %dma_start3A_90] : memref<73728x128xf32, #tpu.memory_space<hbm>> -> memref<128x128xf32, #tpu.memory_space<hbm>>
        %dma_start3A_92 = arith.constant 0 : i32
        %dma_start3A_93 = arith.constant 64 : i32
        %dma_start3A_94 = tpu.memref_slice %dma_start3A_91[%dma_start3A_92, %dma_start3A_93] : memref<128x128xf32, #tpu.memory_space<hbm>> -> memref<128x64xf32, #tpu.memory_space<hbm>>
        tpu.enqueue_dma source(%arg10 : memref<128x64xf32, #tpu.memory_space<vmem>>) target(%dma_start3A_94 : memref<128x64xf32, #tpu.memory_space<hbm>>) target_semaphore(%run_scoped3A : memref<!tpu.dma_semaphore, #tpu.memory_space<semaphore_mem>>)
        %dma_wait3A_95 = arith.constant 0 : i32
        %dma_wait3A_96 = tpu.memref_slice %arg4[%add3A_84, %dma_wait3A_95] : memref<73728x128xf32, #tpu.memory_space<hbm>> -> memref<128x128xf32, #tpu.memory_space<hbm>>
        %dma_wait3A_97 = arith.constant 0 : i32
        %dma_wait3A_98 = arith.constant 64 : i32
        %dma_wait3A_99 = tpu.memref_slice %dma_wait3A_96[%dma_wait3A_97, %dma_wait3A_98] : memref<128x128xf32, #tpu.memory_space<hbm>> -> memref<128x64xf32, #tpu.memory_space<hbm>>
        %dma_wait3A_100 = arith.constant 0 : i32
        %dma_wait3A_101 = tpu.memref_slice %arg4[%add3A_84, %dma_wait3A_100] : memref<73728x128xf32, #tpu.memory_space<hbm>> -> memref<128x128xf32, #tpu.memory_space<hbm>>
        %dma_wait3A_102 = arith.constant 0 : i32
        %dma_wait3A_103 = arith.constant 64 : i32
        %dma_wait3A_104 = tpu.memref_slice %dma_wait3A_101[%dma_wait3A_102, %dma_wait3A_103] : memref<128x128xf32, #tpu.memory_space<hbm>> -> memref<128x64xf32, #tpu.memory_space<hbm>>
        tpu.wait_dma2 semaphore(%run_scoped3A : memref<!tpu.dma_semaphore, #tpu.memory_space<semaphore_mem>>) src(%arg10 : memref<128x64xf32, #tpu.memory_space<vmem>>) dst(%dma_wait3A_104 : memref<128x64xf32, #tpu.memory_space<hbm>>)
        tpu.yield
      }) : () -> ()
    }
    %scan3A_26 = arith.constant 9 : i32
    return
  }
}

module attributes {stable_mosaic.version = 14 : i64} {
  func.func @_tc_pack_body(%arg0: i32, %arg1: memref<64x4096xf32, #tpu.memory_space<vmem>>, %arg2: memref<64x4096xf32, #tpu.memory_space<vmem>>, %arg3: memref<848x128xf32, #tpu.memory_space<vmem>>, %arg4: memref<4096x128xf32, #tpu.memory_space<vmem>>) attributes {dimension_semantics = [#tpu.dimension_semantics<arbitrary>], iteration_bounds = array<i64: 13>, scalar_prefetch = 0 : i64, scratch_operands = 0 : i64, tpu.core_type = #tpu.core_type<tc>, window_params = [{transform_indices = @transform_0, window_bounds = array<i64: 64, 4096>}, {transform_indices = @transform_1, window_bounds = array<i64: 64, 4096>}, {pipeline_mode = #tpu.pipeline_mode<synchronous>, transform_indices = @transform_2, window_bounds = array<i64: 848, 128>}, {transform_indices = @transform_3, window_bounds = array<i64: 4096, 128>}]} {
    %lt3A = arith.constant 12 : i32
    %lt3A_0 = arith.cmpi slt, %arg0, %lt3A : i32
    %convert_element_type3A = arith.extui %lt3A_0 : i1 to i32
    %cond3A = arith.constant 0 : i32
    %cond3A_1 = arith.cmpi ne, %convert_element_type3A, %cond3A : i32
    scf.if %cond3A_1 {
      %get3A = arith.constant 0 : index
      %get3A_6 = arith.constant 0 : index
      %get3A_7 = vector.load %arg1[%get3A, %get3A_6] : memref<64x4096xf32, #tpu.memory_space<vmem>>, vector<64x4096xf32>
      %transpose3A = tpu.transpose %get3A_7, [1, 0] : vector<64x4096xf32> -> vector<4096x64xf32>
      %swap3A = arith.constant 0 : index
      %swap3A_8 = arith.constant 0 : index
      %swap3A_9 = vector.load %arg4[%swap3A, %swap3A_8] : memref<4096x128xf32, #tpu.memory_space<vmem>>, vector<4096x64xf32>
      tpu.vector_store %arg4[%swap3A, %swap3A_8], %transpose3A {strides = array<i32>} : memref<4096x128xf32, #tpu.memory_space<vmem>>, vector<4096x64xf32>,
      %get3A_10 = arith.constant 0 : index
      %get3A_11 = arith.constant 0 : index
      %get3A_12 = vector.load %arg2[%get3A_10, %get3A_11] : memref<64x4096xf32, #tpu.memory_space<vmem>>, vector<64x4096xf32>
      %transpose3A_13 = tpu.transpose %get3A_12, [1, 0] : vector<64x4096xf32> -> vector<4096x64xf32>
      %swap3A_14 = arith.constant 0 : index
      %swap3A_15 = arith.constant 64 : index
      %swap3A_16 = vector.load %arg4[%swap3A_14, %swap3A_15] : memref<4096x128xf32, #tpu.memory_space<vmem>>, vector<4096x64xf32>
      tpu.vector_store %arg4[%swap3A_14, %swap3A_15], %transpose3A_13 {strides = array<i32>} : memref<4096x128xf32, #tpu.memory_space<vmem>>, vector<4096x64xf32>,
    } else {
    }
    %eq3A = arith.constant 12 : i32
    %eq3A_2 = arith.cmpi eq, %arg0, %eq3A : i32
    %convert_element_type3A_3 = arith.extui %eq3A_2 : i1 to i32
    %cond3A_4 = arith.constant 0 : i32
    %cond3A_5 = arith.cmpi ne, %convert_element_type3A_3, %cond3A_4 : i32
    scf.if %cond3A_5 {
      %get3A = arith.constant 0 : index
      %get3A_6 = arith.constant 0 : index
      %get3A_7 = vector.load %arg3[%get3A, %get3A_6] : memref<848x128xf32, #tpu.memory_space<vmem>>, vector<848x128xf32>
      %swap3A = arith.constant 0 : index
      %swap3A_8 = arith.constant 0 : index
      %swap3A_9 = vector.load %arg4[%swap3A, %swap3A_8] : memref<4096x128xf32, #tpu.memory_space<vmem>>, vector<848x128xf32>
      tpu.vector_store %arg4[%swap3A, %swap3A_8], %get3A_7 {strides = array<i32>} : memref<4096x128xf32, #tpu.memory_space<vmem>>, vector<848x128xf32>,
    } else {
    }
    return
  }
  func.func @transform_0(%arg0: i32) -> (i32, i32) {
    %c0_i32 = arith.constant 0 : i32
    %c0_i32_0 = arith.constant 0 : i32
    return %c0_i32, %arg0 : i32, i32
  }
  func.func @transform_1(%arg0: i32) -> (i32, i32) {
    %add3A = arith.constant 12 : i32
    %add3A_0 = arith.addi %arg0, %add3A : i32
    %c0_i32 = arith.constant 0 : i32
    %c0_i32_1 = arith.constant 0 : i32
    return %c0_i32, %add3A_0 : i32, i32
  }
  func.func @transform_2(%arg0: i32) -> (i32, i32) {
    %c0_i32 = arith.constant 0 : i32
    %c0_i32_0 = arith.constant 0 : i32
    %c0_i32_1 = arith.constant 0 : i32
    return %c0_i32, %c0_i32_0 : i32, i32
  }
  func.func @transform_3(%arg0: i32) -> (i32, i32) {
    %c0_i32 = arith.constant 0 : i32
    %c0_i32_0 = arith.constant 0 : i32
    return %arg0, %c0_i32 : i32, i32
  }
}

module attributes {stable_mosaic.version = 14 : i64} {
  func.func @_tc_mlp_body(%arg0: i32, %arg1: memref<18x512x128xf32, #tpu.memory_space<vmem>>, %arg2: memref<2304x1024xbf16, #tpu.memory_space<vmem>>, %arg3: memref<1x1024xf32, #tpu.memory_space<vmem>>, %arg4: memref<128x1024xf32, #tpu.memory_space<vmem>>, %arg5: memref<1x128xf32, #tpu.memory_space<vmem>>, %arg6: memref<512x128xf32, #tpu.memory_space<vmem>>) attributes {dimension_semantics = [#tpu.dimension_semantics<arbitrary>], iteration_bounds = array<i64: 8>, scalar_prefetch = 0 : i64, scratch_operands = 0 : i64, tpu.core_type = #tpu.core_type<tc>, window_params = [{transform_indices = @transform_0, window_bounds = array<i64: 18, 512, 128>}, {pipeline_mode = #tpu.pipeline_mode<synchronous>, transform_indices = @transform_1, window_bounds = array<i64: 2304, 1024>}, {pipeline_mode = #tpu.pipeline_mode<synchronous>, transform_indices = @transform_2, window_bounds = array<i64: 1, 1024>}, {pipeline_mode = #tpu.pipeline_mode<synchronous>, transform_indices = @transform_3, window_bounds = array<i64: 128, 1024>}, {pipeline_mode = #tpu.pipeline_mode<synchronous>, transform_indices = @transform_4, window_bounds = array<i64: 1, 128>}, {transform_indices = @transform_5, window_bounds = array<i64: 512, 128>}]} {
    %get3A = arith.constant 0 : index
    %get3A_0 = arith.constant 0 : index
    %get3A_1 = arith.constant 0 : index
    %get3A_2 = vector.load %arg1[%get3A, %get3A_0, %get3A_1] : memref<18x512x128xf32, #tpu.memory_space<vmem>>, vector<18x512x128xf32>
    %convert_element_type3A = arith.truncf %get3A_2 : vector<18x512x128xf32> to vector<18x512x128xbf16>
    %transpose3A = tpu.transpose %convert_element_type3A, [1, 0, 2] : vector<18x512x128xbf16> -> vector<512x18x128xbf16>
    %reshape3A = vector.shape_cast %transpose3A : vector<512x18x128xbf16> to vector<512x2304xbf16>
    %get3A_3 = arith.constant 0 : index
    %get3A_4 = arith.constant 0 : index
    %get3A_5 = vector.load %arg3[%get3A_3, %get3A_4] : memref<1x1024xf32, #tpu.memory_space<vmem>>, vector<1x1024xf32>
    %get3A_6 = arith.constant 0 : index
    %get3A_7 = arith.constant 0 : index
    %get3A_8 = vector.load %arg2[%get3A_6, %get3A_7] : memref<2304x1024xbf16, #tpu.memory_space<vmem>>, vector<2304x1024xbf16>
    %dot_general3A = arith.constant dense<0.000000e+00> : vector<512x1024xf32>
    %dot_general3A_9 = tpu.matmul %reshape3A, %get3A_8, %dot_general3A {dimension_numbers = #tpu.dot_dimension_numbers<[1], [0], [0], [1], [0, 0, 1, 1], [], []>, transpose_lhs_hint = false} : vector<512x2304xbf16>, vector<2304x1024xbf16>, vector<512x1024xf32> -> vector<512x1024xf32>
    %add3A = vector.broadcast %get3A_5 : vector<1x1024xf32> to vector<512x1024xf32>
    %add3A_10 = arith.addf %add3A, %dot_general3A_9 : vector<512x1024xf32>
    %max3A = arith.constant 0.000000e+00 : f32
    %max3A_11 = vector.broadcast %max3A : f32 to vector<512x1024xf32>
    %max3A_12 = arith.maximumf %add3A_10, %max3A_11 : vector<512x1024xf32>
    %get3A_13 = arith.constant 0 : index
    %get3A_14 = arith.constant 0 : index
    %get3A_15 = vector.load %arg4[%get3A_13, %get3A_14] : memref<128x1024xf32, #tpu.memory_space<vmem>>, vector<128x1024xf32>
    %dot_general3A_16 = arith.constant dense<0.000000e+00> : vector<512x128xf32>
    %dot_general3A_17 = tpu.matmul %max3A_12, %get3A_15, %dot_general3A_16 {dimension_numbers = #tpu.dot_dimension_numbers<[1], [1], [0], [0], [0, 0, 1, 0], [], []>, transpose_lhs_hint = false} : vector<512x1024xf32>, vector<128x1024xf32>, vector<512x128xf32> -> vector<512x128xf32>
    %get3A_18 = arith.constant 0 : index
    %get3A_19 = arith.constant 0 : index
    %get3A_20 = vector.load %arg5[%get3A_18, %get3A_19] : memref<1x128xf32, #tpu.memory_space<vmem>>, vector<1x128xf32>
    %add3A_21 = vector.broadcast %get3A_20 : vector<1x128xf32> to vector<512x128xf32>
    %add3A_22 = arith.addf %dot_general3A_17, %add3A_21 : vector<512x128xf32>
    %swap3A = arith.constant 0 : index
    %swap3A_23 = arith.constant 0 : index
    %swap3A_24 = vector.load %arg6[%swap3A, %swap3A_23] : memref<512x128xf32, #tpu.memory_space<vmem>>, vector<512x128xf32>
    tpu.vector_store %arg6[%swap3A, %swap3A_23], %add3A_22 {strides = array<i32>} : memref<512x128xf32, #tpu.memory_space<vmem>>, vector<512x128xf32>,
    return
  }
  func.func @transform_0(%arg0: i32) -> (i32, i32, i32) {
    %c0_i32 = arith.constant 0 : i32
    %c0_i32_0 = arith.constant 0 : i32
    %c0_i32_1 = arith.constant 0 : i32
    return %c0_i32, %arg0, %c0_i32_0 : i32, i32, i32
  }
  func.func @transform_1(%arg0: i32) -> (i32, i32) {
    %c0_i32 = arith.constant 0 : i32
    %c0_i32_0 = arith.constant 0 : i32
    %c0_i32_1 = arith.constant 0 : i32
    return %c0_i32, %c0_i32_0 : i32, i32
  }
  func.func @transform_2(%arg0: i32) -> (i32, i32) {
    %c0_i32 = arith.constant 0 : i32
    %c0_i32_0 = arith.constant 0 : i32
    %c0_i32_1 = arith.constant 0 : i32
    return %c0_i32, %c0_i32_0 : i32, i32
  }
  func.func @transform_3(%arg0: i32) -> (i32, i32) {
    %c0_i32 = arith.constant 0 : i32
    %c0_i32_0 = arith.constant 0 : i32
    %c0_i32_1 = arith.constant 0 : i32
    return %c0_i32, %c0_i32_0 : i32, i32
  }
  func.func @transform_4(%arg0: i32) -> (i32, i32) {
    %c0_i32 = arith.constant 0 : i32
    %c0_i32_0 = arith.constant 0 : i32
    %c0_i32_1 = arith.constant 0 : i32
    return %c0_i32, %c0_i32_0 : i32, i32
  }
  func.func @transform_5(%arg0: i32) -> (i32, i32) {
    %c0_i32 = arith.constant 0 : i32
    %c0_i32_0 = arith.constant 0 : i32
    return %arg0, %c0_i32 : i32, i32
  }
}

</mosaic_0001>

<sc_bundles>
// kernel: kernel.5.cloned.1.call-start
scs
__scs_entry_jumppad:
0x0: {  	(pc) =	sbr.rel $0x88, $3  }
0x1: {  	(tag) =	ssettag $0x0;
	lr =	simm.s32 $0x1  }
0x2: {  	[smem:$0x3F9B] =	sst lr;
	_ =	strace $0xD0000000  }
0x3: {  	_ = 	snop  }
0x4: {  	_ = 	snop  }
0x5: {  	_ = 	snop  }
0x6: {  	_ = 	snop  }
0x7: {  	_ = 	snop  }
__scs_overlays_trampoline_lowered:
0x8: {  	[smem:$0x3FAA] =	sst s0  }
0x9: {  	[smem:$0x3FAB] =	sst s1  }
0xa: {  	[smem:$0x3FAC] =	sst s2  }
0xb: {  	[smem:$0x3FAD] =	sst s3  }
0xc: {  	[smem:$0x3FAE] =	sst s4  }
0xd: {  	[smem:$0x3FAF] =	sst s5  }
0xe: {  	[smem:$0x3FB0] =	sst s6  }
0xf: {  	[smem:$0x3FB1] =	sst s7  }
0x10: {  	[smem:$0x3FB2] =	sst s8  }
0x11: {  	[smem:$0x3FB3] =	sst s9;
	s0 =	simm.s32 @!p0 $0x0  }
0x12: {  	s1 =	sld [smem:$0x3F99];
	s0 =	simm.s32 @p0 $0x1  }
0x13: {  	[smem:$0x3FB4] =	sst s0;
	s0 =	simm.s32 @!p1 $0x0  }
0x14: {  	s2 =	sld [smem:$0x3F98];
	s0 =	simm.s32 @p1 $0x1  }
0x15: {  	[smem:$0x3FB5] =	sst s0;
	s0 =	simm.s32 @!p2 $0x0  }
0x16: {  	s3 =	sld [smem:$0x3FDB];
	s0 =	simm.s32 @p2 $0x1  }
0x17: {  	s4 =	simm.s32 $0x1BF5;
	[smem:$0x3FB7] =	sst s0  }
0x18: {  	s0 =	sld [smem:$0x3F9A];
	_ =	swait.ge [sflag:s4], $0x0  }
0x19: {  	s7 =	sld [smem:$0x3F9B]  }
0x1a: {  	s8 =	sadd.s32 $0xFFFFE003, lr  }
0x1b: {  	s9 =	sadd.s32 $0xFFFFFEF7, lr;
	s5 =	simm.s32 $0xFFFFFFFF;
	p2 =	slt.u32 s8, $0xFFFFF086  }
0x1c: {  	p1 =	slt.u32 s9, $0xF7A;
	s5 =	simm.s32 @!p2 $0x0  }
0x1d: {  	s5 =	simm.s32 @p1 $0x1;
	p0 =	seq.s32 s7, s2  }
0x1e: {  	s7 =	smul.u32 @!p0 $0xF7A, s2;
	p2 =	seq.s32 @!p0 s5, $0x0  }
0x1f: {  	s9 =	smul.u32 $0xF7A, s1;
	s8 =	simm.s32 @!p0 $0x1BF5;
	p2 =	por !p2, p0  }
0x20: {  	[sflag:s8] =	ssyncset.s32 @!p0 $0xFFFFF086;
	s6 =	sadd.s32 @!p0 s3, s7;
	s7 =	simm.s32 @!p0 $0x108  }
0x21: {  	s3 =	sadd.s32 s3, s9;
	s6 =	sadd.s32 @!p0 $0x88, s6;
	s7 =	simm.s32 @p2 $0x1082  }
0x22: {  	[simem:s7], [sflag:s8] =	dma.local @!p0 [hbm:s6], $0xF7A  }
0x23: {  	s9 =	sor.u32 $0xD0000000, s2;
	s6 =	simm.s32 $0x108;
	_ =	swait.ge @!p0 [sflag:s8], $0x0  }
0x24: {  	s3 =	sadd.s32 $0x88, s3;
	s6 =	simm.s32 @!p1 $0x1082;
	[sflag:s4] =	ssyncset.s32 $0xFFFFF086  }
0x25: {  	[simem:s6], [sflag:s4] =	dma.local [hbm:s3], $0xF7A  }
0x26: {  	[smem:$0x3F9B] =	sst s1;
	(tag) =	ssettag s2;
	_ =	strace s9  }
0x27: {  	s1 =	sld [smem:$0x3FAB]  }
0x28: {  	s2 =	sld [smem:$0x3FAC]  }
0x29: {  	s4 =	sld [smem:$0x3FAE]  }
0x2a: {  	p0 =	seq.s32 s5, $0x0;
	s5 =	sld [smem:$0x3FAF]  }
0x2b: {  	s6 =	sld [smem:$0x3FB0]  }
0x2c: {  	s7 =	sld [smem:$0x3FB1]  }
0x2d: {  	s3 =	simm.s32 $0x108;
	s8 =	sld [smem:$0x3FB2]  }
0x2e: {  	s3 =	simm.s32 @!p0 $0x1082;
	s9 =	sld [smem:$0x3FB3]  }
0x2f: {  	lr =	sadd.s32 s0, s3;
	s0 =	sld [smem:$0x3FAA]  }
0x30: {  	s3 =	sld [smem:$0x3FAD]  }
0x31: {  	[smem:$0x3FB6] =	sst s10  }
0x32: {  	s10 =	sld [smem:$0x3FB4];
	_ =	sdelay $0x3  }
0x33: {  	p0 =	seq.s32 s10, $0x1;
	s10 =	sld [smem:$0x3FB6];
	_ =	sdelay $0x3  }
0x34: {  	[smem:$0x3FB6] =	sst s10  }
0x35: {  	s10 =	sld [smem:$0x3FB5];
	_ =	sdelay $0x3  }
0x36: {  	p1 =	seq.s32 s10, $0x1;
	s10 =	sld [smem:$0x3FB6];
	_ =	sdelay $0x3  }
0x37: {  	[smem:$0x3FB6] =	sst s10  }
0x38: {  	s10 =	sld [smem:$0x3FB7]  }
0x39: {  	_ = 	snop;
	(pc) =	sbr.ind lr, $3  }
0x3a: {  	_ = 	snop  }
0x3b: {  	_ = 	snop  }
0x3c: {  	p2 =	seq.s32 s10, $0x1;
	s10 =	sld [smem:$0x3FB6]  }
0x3d: {  	_ =	shalt  }
0x3e: {  	_ =	shalt  }
0x3f: {  	_ =	shalt  }
0x40: {  	_ =	shalt  }
0x41: {  	_ =	shalt  }
0x42: {  	_ =	shalt  }
0x43: {  	_ =	shalt  }
0x44: {  	_ =	shalt  }
0x45: {  	_ =	shalt  }
0x46: {  	_ =	shalt  }
0x47: {  	_ =	shalt  }
0x48: {  	_ =	shalt  }
0x49: {  	_ =	shalt  }
0x4a: {  	_ =	shalt  }
0x4b: {  	_ =	shalt  }
0x4c: {  	_ =	shalt  }
0x4d: {  	_ =	shalt  }
0x4e: {  	_ =	shalt  }
0x4f: {  	_ =	shalt  }
0x50: {  	_ =	shalt  }
0x51: {  	_ =	shalt  }
0x52: {  	_ =	shalt  }
0x53: {  	_ =	shalt  }
0x54: {  	_ =	shalt  }
0x55: {  	_ =	shalt  }
0x56: {  	_ =	shalt  }
0x57: {  	_ =	shalt  }
0x58: {  	_ =	shalt  }
0x59: {  	_ =	shalt  }
0x5a: {  	_ =	shalt  }
0x5b: {  	_ =	shalt  }
0x5c: {  	_ =	shalt  }
0x5d: {  	_ =	shalt  }
0x5e: {  	_ =	shalt  }
0x5f: {  	_ =	shalt  }
0x60: {  	_ =	shalt  }
0x61: {  	_ =	shalt  }
0x62: {  	_ =	shalt  }
0x63: {  	_ =	shalt  }
0x64: {  	_ =	shalt  }
0x65: {  	_ =	shalt  }
0x66: {  	_ =	shalt  }
0x67: {  	_ =	shalt  }
0x68: {  	_ =	shalt  }
0x69: {  	_ =	shalt  }
0x6a: {  	_ =	shalt  }
0x6b: {  	_ =	shalt  }
0x6c: {  	_ =	shalt  }
0x6d: {  	_ =	shalt  }
0x6e: {  	_ =	shalt  }
0x6f: {  	_ =	shalt  }
0x70: {  	_ =	shalt  }
0x71: {  	_ =	shalt  }
0x72: {  	_ =	shalt  }
0x73: {  	_ =	shalt  }
0x74: {  	_ =	shalt  }
0x75: {  	_ =	shalt  }
0x76: {  	_ =	shalt  }
0x77: {  	_ =	shalt  }
0x78: {  	_ =	shalt  }
0x79: {  	_ =	shalt  }
0x7a: {  	_ =	shalt  }
0x7b: {  	_ =	shalt  }
0x7c: {  	_ =	shalt  }
0x7d: {  	_ =	shalt  }
0x7e: {  	_ =	shalt  }
0x7f: {  	_ =	shalt  }
0x80: {  	_ =	shalt  }
0x81: {  	_ =	shalt  }
0x82: {  	_ =	shalt  }
0x83: {  	_ =	shalt  }
0x84: {  	_ =	shalt  }
0x85: {  	_ =	shalt  }
0x86: {  	_ =	shalt  }
0x87: {  	_ =	shalt  }
.Lfunc_end0:
.L_simem_size_0:
called_computation_lowered:
.L_overlay_start_0:
0x88: {  	s2 =	sld [smem:$0x3FD9]  }
0x89: {  	s3 =	sld [smem:$0x3FFE];
	_ =	sdelay $0x1  }
0x8a: {  	s1 =	srdreg.scid  }
0x8b: {  	s0 =	sand.u32 $0x1, s1  }
0x8c: {  	s16 =	sshll.u32 s0, $0xA;
	s2 =	sadd.s32 s3, s2  }
0x8d: {  	s2 =	sadd.s32 s2, s16  }
0x8e: {  	[smem:$0x3FC2] =	sst s2  }
0x8f: {  	_ = 	snop  }
0x90: {  	(tm) =	ssettm $0x1  }
0x91: {  	s17 =	sld [smem:$0x3FFB];
	_ =	sdelay $0x3  }
0x92: {  	_ =	strace s17  }
0x93: {  	s2 =	sld [smem:$0x3FFC];
	_ =	sdelay $0x3  }
0x94: {  	_ =	strace s2  }
0x95: {  	s2 =	sld [smem:$0x3FFD];
	_ =	sdelay $0x3  }
0x96: {  	_ =	strace s2  }
0x97: {  	_ =	strace $0x8FFFFFFF  }
0x98: {  	s18 =	sld [smem:$0x3FDB];
	_ =	sdelay $0x1  }
0x99: {  	s19 =	simm.s32 $_scs_section_size  }
0x9a: {  	s4 =	simm.s32 $_size__tile_overlayer_lowered;
	s5 =	simm.s32 $_tile_overlayer_lowered  }
0x9b: {  	s22 =	simm.s32 $0x1BFF;
	s21 =	sshll.u32 s5, $0x1;
	s2 =	sadd.s32 s19, s18  }
0x9c: {  	s6 =	simm.s32 $0x0;
	s20 =	sshll.u32 s4, $0x1;
	s4 =	sadd.s32 s21, s2  }
0x9d: {  	[timem:s6], [sflag:s22] =	dma.local [hbm:s4], s20  }
0x9e: {  	_ =	swait.ge [sflag:s22], s20  }
0x9f: {  	s3 =	ssub.s32 $0x0, s20;
	[sflag:s22] =	ssyncset.done $0x0  }
0xa0: {  	[sflag:s22] =	ssyncadd.s32 s3;
	_ =	sdelay $0x1  }
0xa1: {  	s23 =	simm.s32 $0x1B8B  }
0xa2: {  	_ =	swait.ge [sflag:s23], $0x1  }
0xa3: {  	[sflag:s23] =	ssyncset.done $0x0  }
0xa4: {  	s25 =	simm.s32 $0x1B8E;
	s24 =	sld [smem:$0x3FFE];
	[sflag:s23] =	ssyncadd.s32 $0xFFFFFFFF  }
0xa5: {  	s26 =	simm.s32 $execute0_lowered;
	[smem:$0x3FD2] =	sst s25  }
0xa6: {  	s4 =	sshll.u32 s26, $0x1;
	_ =	strace $0x80000046;
	[dreg:$0x1] =	wrdreg $0xFFFFFFFF  }
0xa7: {  	s28 =	simm.s32 $_size_execute0_lowered;
	s2 =	sadd.s32 s2, s4;
	[dreg:$0x0] =	wrdreg $0x0  }
0xa8: {  	s4 =	sshll.u32 s28, $0x1;
	[dreg:$0x2] =	wrdreg s2  }
0xa9: {  	[dreg:$0x3] =	wrdreg s4  }
0xaa: {  	[dreg:$0x4] =	wrdreg $0xC0  }
0xab: {  	_ =	task [dreg:s6], $0x5FFFF  }
0xac: {  	[dreg:$0x1] =	wrdreg $0xFFFFFFFF  }
0xad: {  	[dreg:$0x0] =	wrdreg $0x60  }
0xae: {  	[dreg:$0x2] =	wrdreg s24  }
0xaf: {  	[dreg:$0x3] =	wrdreg $0x9  }
0xb0: {  	_ =	task.clear_ibuf [dreg:s6], $0x4FFFF;
	_ =	strace $0x90000046  }
0xb1: {  	s29 =	simm.s32 $0x9;
	_ =	strace $0x80000048  }
0xb2: {  	_ =	swait.ge [sflag:s29], $0x1  }
0xb3: {  	[sflag:s29] =	ssyncadd.s32 $0xFFFFFFFF  }
0xb4: {  	_ =	strace $0x90000048  }
0xb5: {  	_ =	sfence  }
0xb6: {  	s30 =	sld [smem:$0x0];
	_ =	sdelay $0x2  }
0xb7: {  	s31 =	sshll.u32 s1, $0xD;
	s1 =	sshrl.u32 s1, $0x2  }
0xb8: {  	s3 =	sand.u32 $0x4000, s31;
	s1 =	sadd.s32 s1, s30  }
0xb9: {  	s0 =	sor.u32 s3, s0;
	s1 =	sshll.u32 s1, $0x11  }
0xba: {  	s0 =	sor.u32 s1, s0  }
0xbb: {  	s0 =	sadd.s32 $0x8F2B, s0  }
0xbc: {  	[sflag:s0] =	ssyncadd.remote.s32 $0x1  }
0xbd: {  	_ =	sfence.sel $0xFFFF  }
0xbe: {  	[dreg:$0x0] =	wrdreg $0xFFFFFFFF;
	(pc) =	sbr.abs _section_cstart, $3  }
0xbf: {  	[dreg:$0x1] =	wrdreg $0xFFFFFFFF  }
0xc0: {  	_ =	task.clear_ibuf [dreg:s6], $0x2FFFF;
	_ =	strace $0x9FFFFFFF  }
0xc1: {  	(tm) =	ssettm $0x7FFFFFFF  }
tec
execute0_lowered:
.L_overlay_start_1:
0x0: {  	(tag) =	ssettag $0x1  }
0x1: {  	s1 =	srdreg.scid  }
0x2: {  	s0 =	stileid.u32;
	s4 =	rddreg [dreg:$0x0]  }
0x3: {  	s2 =	simm.s32 $0x0;
	s12 =	simm.s32 $0x2600;
	s13 =	simm.s32 $0x1480  }
0x4: {  	s14 =	simm.s32 $0x4600;
	s15 =	simm.s32 $0x6600;
	s16 =	simm.s32 $0x8600  }
0x5: {  	s17 =	simm.s32 $0x1;
	s18 =	simm.s32 $0x40;
	s19 =	simm.s32 $0x2  }
0x6: {  	s20 =	simm.s32 $0x2500;
	s21 =	simm.s32 $0x2580;
	s22 =	simm.s32 $0x0  }
0x7: {  	s8 =	sand.u32 $0x1, s1;
	s3 =	sshll.u32 s0, $0x8;
	s1 =	rddreg [dreg:$0x1]  }
0x8: {  	[smem:$0x7FF] =	sst s2;
	s9 =	sadd.s32 $0xC9C00, s4;
	s11 =	sshll.u32 s0, $0xC  }
0x9: {  	s5 =	sshll.u32 s8, $0x7;
	_ =	strace $0x80000047;
	s7 =	ssub.s32 $0x2, s8  }
0xa: {  	v0 =	vlaneseq.u32;
	s8 =	sshll.u32 s8, $0xB;
	s5 =	sor.u32 s5, s3;
	s31 =	sshrl.u32 s7, $0x1  }
0xb: {  	v0 =	vmul.u32 $0x28, v0;
	s3 =	smul.u32 $0x5, s5;
	s5 =	sshll.u32 s5, $0x4;
	s7 =	ssub.s32 s7, s31  }
0xc: {  	s10 =	sadd.s32 s9, s5;
	s5 =	smax.u32 s7, $0x1;
	s9 =	sadd.s32 s11, s9  }
0xd: {  	v1 =	vadd.s32 $0x280, v0;
	s11 =	simm.s32 $0x1400;
	s6 =	sadd.s32 s3, s4;
	s3 =	sadd.s32 $0x6600, s4  }
0xe: {  	v2 =	vadd.s32 $0x500, v0;
	v3 =	vadd.s32 $0x780, v0;
	v4 =	vadd.s32 $0xA00, v0;
	s7 =	sadd.s32 $0x110000, s10;
	s8 =	sadd.s32 s8, s9;
	s9 =	simm.s32 $0x3  }
0xf: {  	v5 =	vadd.s32 $0xC80, v0;
	v6 =	vadd.s32 $0xF00, v0;
	v7 =	vadd.s32 $0x1180, v0;
	s4 =	sadd.s32 $0x1600, s6;
	s6 =	sadd.s32 $0x100000, s10;
	s10 =	simm.s32 $0x80  }
.LBB2_1:
0x10: {  	v8 =	vmov s2  }
0x11: {  	v8 =	vand.u32 $0x3F, v8  }
0x12: {  	v9 =	vadd.s32 v0, v8  }
0x13: {  	[tilespmem:s2], [sflag:$0x3] =	stream.linear.gather [hbm4b:s4+s2], $0x1400, $0x38;
	[tilespmem:$0xA600] =	vst v63  }
0x14: {  	_ =	swait.ge [sflag:s9], $0x1400  }
0x15: {  	[sflag:s9] =	ssyncset.done $0x0  }
0x16: {  	[sflag:s9] =	ssyncadd.s32 $0xFFFFEC00  }
0x17: {  	v9 =	vld.idx.msk [tilespmem:v9+s2+$0x0], $0xffff;
	_ =	sdelay $0x4  }
0x18: {  	v11 =	vadd.s32 v1, v8;
	v10 =	vshll.u32 v9, $0x1  }
0x19: {  	vm0 =	vlt.s32 v9, $0x18000;
	v12 =	vadd.s32 $0xFFFE8001, v10  }
0x1a: {  	vm1 =	vlt.s32 v9, $0xC000;
	v9 =	vsel vm0, v12, v9  }
0x1b: {  	s23 =	simm.s32 $0x1440;
	v9 =	vsel vm1, v10, v9  }
0x1c: {  	[tilespmem:s23+$0xFFFFFFC0] =	vst v9  }
0x1d: {  	v9 =	vld.idx.msk [tilespmem:v11+s2+$0x0], $0xffff;
	_ =	sdelay $0x4  }
0x1e: {  	v11 =	vadd.s32 v2, v8;
	v10 =	vshll.u32 v9, $0x1  }
0x1f: {  	vm14 =	vlt.s32 v9, $0x18000;
	v59 =	vadd.s32 $0xFFFE8001, v10  }
0x20: {  	vm15 =	vlt.s32 v9, $0xC000;
	v9 =	vsel vm14, v59, v9  }
0x21: {  	v9 =	vsel vm15, v10, v9  }
0x22: {  	[tilespmem:s23+$0xFFFFFFD0] =	vst v9  }
0x23: {  	v9 =	vld.idx.msk [tilespmem:v11+s2+$0x0], $0xffff;
	_ =	sdelay $0x4  }
0x24: {  	v11 =	vadd.s32 v3, v8;
	v10 =	vshll.u32 v9, $0x1  }
0x25: {  	vm4 =	vlt.s32 v9, $0x18000;
	v60 =	vadd.s32 $0xFFFE8001, v10  }
0x26: {  	vm5 =	vlt.s32 v9, $0xC000;
	v9 =	vsel vm4, v60, v9  }
0x27: {  	v9 =	vsel vm5, v10, v9  }
0x28: {  	[tilespmem:s23+$0xFFFFFFE0] =	vst v9  }
0x29: {  	v9 =	vld.idx.msk [tilespmem:v11+s2+$0x0], $0xffff;
	_ =	sdelay $0x4  }
0x2a: {  	v11 =	vadd.s32 v4, v8;
	v10 =	vshll.u32 v9, $0x1  }
0x2b: {  	vm6 =	vlt.s32 v9, $0x18000;
	v61 =	vadd.s32 $0xFFFE8001, v10  }
0x2c: {  	vm7 =	vlt.s32 v9, $0xC000;
	v9 =	vsel vm6, v61, v9  }
0x2d: {  	v9 =	vsel vm7, v10, v9  }
0x2e: {  	[tilespmem:s23+$0xFFFFFFF0] =	vst v9  }
0x2f: {  	v9 =	vld.idx.msk [tilespmem:v11+s2+$0x0], $0xffff;
	_ =	sdelay $0x4  }
0x30: {  	v11 =	vadd.s32 v5, v8;
	v10 =	vshll.u32 v9, $0x1  }
0x31: {  	vm8 =	vlt.s32 v9, $0x18000;
	v62 =	vadd.s32 $0xFFFE8001, v10  }
0x32: {  	vm9 =	vlt.s32 v9, $0xC000;
	v9 =	vsel vm8, v62, v9  }
0x33: {  	v9 =	vsel vm9, v10, v9  }
0x34: {  	[tilespmem:s23+$0x0] =	vst v9  }
0x35: {  	v9 =	vld.idx.msk [tilespmem:v11+s2+$0x0], $0xffff;
	_ =	sdelay $0x4  }
0x36: {  	v11 =	vadd.s32 v6, v8;
	v10 =	vshll.u32 v9, $0x1  }
0x37: {  	vm10 =	vlt.s32 v9, $0x18000;
	v63 =	vadd.s32 $0xFFFE8001, v10  }
0x38: {  	vm11 =	vlt.s32 v9, $0xC000;
	v9 =	vsel vm10, v63, v9  }
0x39: {  	v9 =	vsel vm11, v10, v9  }
0x3a: {  	[tilespmem:s23+$0x10] =	vst v9  }
0x3b: {  	v9 =	vld.idx.msk [tilespmem:v11+s2+$0x0], $0xffff;
	_ =	sdelay $0x4  }
0x3c: {  	v8 =	vadd.s32 v7, v8;
	v10 =	vshll.u32 v9, $0x1  }
0x3d: {  	vm12 =	vlt.s32 v9, $0x18000;
	v11 =	vadd.s32 $0xFFFE8001, v10  }
0x3e: {  	vm13 =	vlt.s32 v9, $0xC000;
	v9 =	vsel vm12, v11, v9  }
0x3f: {  	v9 =	vsel vm13, v10, v9  }
0x40: {  	[tilespmem:s23+$0x20] =	vst v9  }
0x41: {  	v9 =	vld.idx.msk [tilespmem:v8+s2+$0x0], $0xffff;
	_ =	sdelay $0x3  }
0x42: {  	s24 =	simm.s32 $0x1  }
0x43: {  	v8 =	vmov s24;
	v10 =	vshll.u32 v9, $0x1  }
0x44: {  	v8 =	vand.u32 $0x3F, v8;
	vm14 =	vlt.s32 v9, $0x18000;
	v11 =	vadd.s32 $0xFFFE8001, v10  }
0x45: {  	vm15 =	vlt.s32 v9, $0xC000;
	v11 =	vsel vm14, v11, v9;
	v9 =	vadd.s32 v0, v8;
	_ =	sdelay $0x1  }
0x46: {  	s24 =	simm.s32 $0x2;
	v10 =	vsel vm15, v10, v11  }
.LBB2_2:
0x47: {  	p0 =	sne.s32 s24, $0x23  }
0x48: {  	[tilespmem:s23+$0x30] =	vst v10;
	s23 =	sadd.s32 $0x80, s23;
	s25 =	smov.u32 s24;
	s24 =	sadd.s32 $0x1, s24  }
0x49: {  	v9 =	vld.idx.msk [tilespmem:v9+s2+$0x0], $0xffff;
	_ =	sdelay $0x5  }
0x4a: {  	v11 =	vadd.s32 v1, v8;
	v10 =	vshll.u32 v9, $0x1  }
0x4b: {  	vm0 =	vlt.s32 v9, $0x18000;
	v12 =	vadd.s32 $0xFFFE8001, v10  }
0x4c: {  	vm1 =	vlt.s32 v9, $0xC000;
	v9 =	vsel vm0, v12, v9  }
0x4d: {  	v9 =	vsel vm1, v10, v9  }
0x4e: {  	[tilespmem:s23+$0xFFFFFFC0] =	vst v9  }
0x4f: {  	v9 =	vld.idx.msk [tilespmem:v11+s2+$0x0], $0xffff;
	_ =	sdelay $0x5  }
0x50: {  	v11 =	vadd.s32 v2, v8;
	v10 =	vshll.u32 v9, $0x1  }
0x51: {  	vm0 =	vlt.s32 v9, $0x18000;
	v12 =	vadd.s32 $0xFFFE8001, v10  }
0x52: {  	vm1 =	vlt.s32 v9, $0xC000;
	v9 =	vsel vm0, v12, v9  }
0x53: {  	v9 =	vsel vm1, v10, v9  }
0x54: {  	[tilespmem:s23+$0xFFFFFFD0] =	vst v9  }
0x55: {  	v9 =	vld.idx.msk [tilespmem:v11+s2+$0x0], $0xffff;
	_ =	sdelay $0x5  }
0x56: {  	v11 =	vadd.s32 v3, v8;
	v10 =	vshll.u32 v9, $0x1  }
0x57: {  	vm0 =	vlt.s32 v9, $0x18000;
	v12 =	vadd.s32 $0xFFFE8001, v10  }
0x58: {  	vm1 =	vlt.s32 v9, $0xC000;
	v9 =	vsel vm0, v12, v9  }
0x59: {  	v9 =	vsel vm1, v10, v9  }
0x5a: {  	[tilespmem:s23+$0xFFFFFFE0] =	vst v9  }
0x5b: {  	v9 =	vld.idx.msk [tilespmem:v11+s2+$0x0], $0xffff;
	_ =	sdelay $0x5  }
0x5c: {  	v11 =	vadd.s32 v4, v8;
	v10 =	vshll.u32 v9, $0x1  }
0x5d: {  	vm0 =	vlt.s32 v9, $0x18000;
	v12 =	vadd.s32 $0xFFFE8001, v10  }
0x5e: {  	vm1 =	vlt.s32 v9, $0xC000;
	v9 =	vsel vm0, v12, v9  }
0x5f: {  	v9 =	vsel vm1, v10, v9  }
0x60: {  	[tilespmem:s23+$0xFFFFFFF0] =	vst v9  }
0x61: {  	v9 =	vld.idx.msk [tilespmem:v11+s2+$0x0], $0xffff;
	_ =	sdelay $0x5  }
0x62: {  	v11 =	vadd.s32 v5, v8;
	v10 =	vshll.u32 v9, $0x1  }
0x63: {  	vm0 =	vlt.s32 v9, $0x18000;
	v12 =	vadd.s32 $0xFFFE8001, v10  }
0x64: {  	vm1 =	vlt.s32 v9, $0xC000;
	v9 =	vsel vm0, v12, v9  }
0x65: {  	v9 =	vsel vm1, v10, v9  }
0x66: {  	[tilespmem:s23+$0x0] =	vst v9  }
0x67: {  	v9 =	vld.idx.msk [tilespmem:v11+s2+$0x0], $0xffff;
	_ =	sdelay $0x5  }
0x68: {  	v11 =	vadd.s32 v6, v8;
	v10 =	vshll.u32 v9, $0x1  }
0x69: {  	vm0 =	vlt.s32 v9, $0x18000;
	v12 =	vadd.s32 $0xFFFE8001, v10  }
0x6a: {  	vm1 =	vlt.s32 v9, $0xC000;
	v9 =	vsel vm0, v12, v9  }
0x6b: {  	v9 =	vsel vm1, v10, v9  }
0x6c: {  	[tilespmem:s23+$0x10] =	vst v9  }
0x6d: {  	v9 =	vld.idx.msk [tilespmem:v11+s2+$0x0], $0xffff;
	_ =	sdelay $0x5  }
0x6e: {  	v8 =	vadd.s32 v7, v8;
	v10 =	vshll.u32 v9, $0x1  }
0x6f: {  	vm0 =	vlt.s32 v9, $0x18000;
	v11 =	vadd.s32 $0xFFFE8001, v10  }
0x70: {  	vm1 =	vlt.s32 v9, $0xC000;
	v9 =	vsel vm0, v11, v9  }
0x71: {  	v9 =	vsel vm1, v10, v9  }
0x72: {  	[tilespmem:s23+$0x20] =	vst v9  }
0x73: {  	v10 =	vld.idx.msk [tilespmem:v8+s2+$0x0], $0xffff;
	_ =	sdelay $0x3  }
0x74: {  	v8 =	vmov s25  }
.Ltmp0:
0x75: {  	v8 =	vand.u32 $0x3F, v8;
	(pc) =	sbr.rel @p0 .LBB2_2-.Ltmp0, $4  }
0x76: {  	v9 =	vadd.s32 v0, v8;
	v11 =	vshll.u32 v10, $0x1  }
0x77: {  	vm0 =	vlt.s32 v10, $0x18000;
	v12 =	vadd.s32 $0xFFFE8001, v11  }
0x78: {  	vm1 =	vlt.s32 v10, $0xC000;
	v10 =	vsel vm0, v12, v10  }
0x79: {  	v10 =	vsel vm1, v11, v10  }
0x7a: {  	_ =	sdelay $0x2  }
0x7b: {  	[tilespmem:s23+$0x30] =	vst v10  }
0x7c: {  	v9 =	vld.idx.msk [tilespmem:v9+s2+$0x0], $0xffff;
	_ =	sdelay $0x4  }
0x7d: {  	v11 =	vadd.s32 v1, v8;
	v44 =	vshll.u32 v9, $0x1  }
0x7e: {  	vm0 =	vlt.s32 v9, $0x18000;
	v12 =	vadd.s32 $0xFFFE8001, v44  }
0x7f: {  	vm1 =	vlt.s32 v9, $0xC000;
	v9 =	vsel vm0, v12, v9  }
0x80: {  	s31 =	sadd.s32 $0x80, s23;
	v9 =	vsel vm1, v44, v9  }
0x81: {  	[tilespmem:s31+$0xFFFFFFC0] =	vst v9  }
0x82: {  	v9 =	vld.idx.msk [tilespmem:v11+s2+$0x0], $0xffff;
	_ =	sdelay $0x4  }
0x83: {  	v46 =	vadd.s32 v2, v8;
	v45 =	vshll.u32 v9, $0x1  }
0x84: {  	vm14 =	vlt.s32 v9, $0x18000;
	v47 =	vadd.s32 $0xFFFE8001, v45  }
0x85: {  	vm15 =	vlt.s32 v9, $0xC000;
	v9 =	vsel vm14, v47, v9  }
0x86: {  	v9 =	vsel vm15, v45, v9  }
0x87: {  	[tilespmem:s31+$0xFFFFFFD0] =	vst v9  }
0x88: {  	v9 =	vld.idx.msk [tilespmem:v46+s2+$0x0], $0xffff;
	_ =	sdelay $0x4  }
0x89: {  	v49 =	vadd.s32 v3, v8;
	v48 =	vshll.u32 v9, $0x1  }
0x8a: {  	vm4 =	vlt.s32 v9, $0x18000;
	v50 =	vadd.s32 $0xFFFE8001, v48  }
0x8b: {  	vm5 =	vlt.s32 v9, $0xC000;
	v9 =	vsel vm4, v50, v9  }
0x8c: {  	v9 =	vsel vm5, v48, v9  }
0x8d: {  	[tilespmem:s31+$0xFFFFFFE0] =	vst v9  }
0x8e: {  	v9 =	vld.idx.msk [tilespmem:v49+s2+$0x0], $0xffff;
	_ =	sdelay $0x4  }
0x8f: {  	v52 =	vadd.s32 v4, v8;
	v51 =	vshll.u32 v9, $0x1  }
0x90: {  	vm6 =	vlt.s32 v9, $0x18000;
	v53 =	vadd.s32 $0xFFFE8001, v51  }
0x91: {  	vm7 =	vlt.s32 v9, $0xC000;
	v9 =	vsel vm6, v53, v9  }
0x92: {  	v9 =	vsel vm7, v51, v9  }
0x93: {  	[tilespmem:s31+$0xFFFFFFF0] =	vst v9  }
0x94: {  	v9 =	vld.idx.msk [tilespmem:v52+s2+$0x0], $0xffff;
	_ =	sdelay $0x4  }
0x95: {  	v55 =	vadd.s32 v5, v8;
	v54 =	vshll.u32 v9, $0x1  }
0x96: {  	vm8 =	vlt.s32 v9, $0x18000;
	v56 =	vadd.s32 $0xFFFE8001, v54  }
0x97: {  	vm9 =	vlt.s32 v9, $0xC000;
	v9 =	vsel vm8, v56, v9  }
0x98: {  	v9 =	vsel vm9, v54, v9  }
0x99: {  	[tilespmem:s31+$0x0] =	vst v9  }
0x9a: {  	v9 =	vld.idx.msk [tilespmem:v55+s2+$0x0], $0xffff;
	_ =	sdelay $0x4  }
0x9b: {  	v58 =	vadd.s32 v6, v8;
	v57 =	vshll.u32 v9, $0x1  }
0x9c: {  	vm10 =	vlt.s32 v9, $0x18000;
	v59 =	vadd.s32 $0xFFFE8001, v57  }
0x9d: {  	vm11 =	vlt.s32 v9, $0xC000;
	v9 =	vsel vm10, v59, v9  }
0x9e: {  	v9 =	vsel vm11, v57, v9  }
0x9f: {  	[tilespmem:s31+$0x10] =	vst v9  }
0xa0: {  	v9 =	vld.idx.msk [tilespmem:v58+s2+$0x0], $0xffff;
	_ =	sdelay $0x4  }
0xa1: {  	v8 =	vadd.s32 v7, v8;
	v60 =	vshll.u32 v9, $0x1  }
0xa2: {  	vm12 =	vlt.s32 v9, $0x18000;
	v61 =	vadd.s32 $0xFFFE8001, v60  }
0xa3: {  	vm13 =	vlt.s32 v9, $0xC000;
	v9 =	vsel vm12, v61, v9  }
0xa4: {  	v9 =	vsel vm13, v60, v9  }
0xa5: {  	[tilespmem:s31+$0x20] =	vst v9  }
0xa6: {  	v8 =	vld.idx.msk [tilespmem:v8+s2+$0x0], $0xffff;
	_ =	sdelay $0x4  }
0xa7: {  	v62 =	vshll.u32 v8, $0x1  }
0xa8: {  	vm14 =	vlt.s32 v8, $0x18000;
	v63 =	vadd.s32 $0xFFFE8001, v62  }
0xa9: {  	vm15 =	vlt.s32 v8, $0xC000;
	v8 =	vsel vm14, v63, v8  }
0xaa: {  	v8 =	vsel vm15, v62, v8  }
0xab: {  	[tilespmem:s31+$0x30] =	vst v8  }
0xac: {  	[tilespmem:s12], [sflag:$0x1] =	stream.indirect.gather [hbm4b:s3+s10], $0x40, s11, s10, $0xb8;
	[tilespmem:$0xA600] =	vst v63  }
0xad: {  	_ = 	snop  }
0xae: {  	[tilespmem:s14], [sflag:$0x1] =	stream.indirect.gather [hbm4b:s3+s10], $0x40, s13, s10, $0xb8;
	[tilespmem:$0xA600] =	vst v63  }
0xaf: {  	s24 =	simm.s32 $0x1500  }
0xb0: {  	[tilespmem:s15], [sflag:$0x2] =	stream.indirect.gather [hbm4b:s3+s10], $0x40, s24, s10, $0xb8;
	[tilespmem:$0xA600] =	vst v63  }
0xb1: {  	s25 =	simm.s32 $0x1580  }
0xb2: {  	[tilespmem:s16], [sflag:$0x2] =	stream.indirect.gather [hbm4b:s3+s10], $0x40, s25, s10, $0xb8;
	[tilespmem:$0xA600] =	vst v63  }
0xb3: {  	_ =	swait.ge [sflag:s17], $0x2000  }
0xb4: {  	[sflag:s17] =	ssyncset.done $0x0  }
0xb5: {  	[sflag:s17] =	ssyncadd.s32 $0xFFFFE000  }
0xb6: {  	_ =	swait.ge [sflag:s17], $0x2000  }
0xb7: {  	[sflag:s17] =	ssyncset.done $0x0  }
0xb8: {  	[sflag:s17] =	ssyncadd.s32 $0xFFFFE000  }
0xb9: {  	[hbm4b:s8+s18] =	stream.strided.scatter [tilespmem:s12], [sflag:$0x3], $0x2000, s10, s18, $0x38;
	[tilespmem:$0xA600] =	vst v63  }
0xba: {  	_ =	swait.ge [sflag:s9], $0x2000  }
0xbb: {  	[sflag:s9] =	ssyncset.done $0x0  }
0xbc: {  	s26 =	sadd.s32 $0x8, s8;
	[sflag:s9] =	ssyncadd.s32 $0xFFFFE000  }
0xbd: {  	[hbm4b:s26+s18] =	stream.strided.scatter [tilespmem:s14], [sflag:$0x3], $0x2000, s10, s18, $0x38;
	[tilespmem:$0xA600] =	vst v63  }
0xbe: {  	_ =	swait.ge [sflag:s9], $0x2000  }
0xbf: {  	[sflag:s9] =	ssyncset.done $0x0  }
0xc0: {  	s29 =	simm.s32 $0x1600;
	[sflag:s9] =	ssyncadd.s32 $0xFFFFE000  }
0xc1: {  	[tilespmem:s12], [sflag:$0x1] =	stream.indirect.gather [hbm4b:s3+s10], $0x40, s29, s10, $0xb8;
	[tilespmem:$0xA600] =	vst v63  }
0xc2: {  	s30 =	simm.s32 $0x1680  }
0xc3: {  	[tilespmem:s14], [sflag:$0x1] =	stream.indirect.gather [hbm4b:s3+s10], $0x40, s30, s10, $0xb8;
	[tilespmem:$0xA600] =	vst v63  }
0xc4: {  	_ =	swait.ge [sflag:s19], $0x2000  }
0xc5: {  	[sflag:s19] =	ssyncset.done $0x0  }
0xc6: {  	[sflag:s19] =	ssyncadd.s32 $0xFFFFE000  }
0xc7: {  	_ =	swait.ge [sflag:s19], $0x2000  }
0xc8: {  	[sflag:s19] =	ssyncset.done $0x0  }
0xc9: {  	s31 =	sadd.s32 $0x10000, s8;
	[sflag:s19] =	ssyncadd.s32 $0xFFFFE000  }
0xca: {  	[hbm4b:s31+s18] =	stream.strided.scatter [tilespmem:s15], [sflag:$0x3], $0x2000, s10, s18, $0x38;
	[tilespmem:$0xA600] =	vst v63  }
0xcb: {  	_ =	swait.ge [sflag:s9], $0x2000  }
0xcc: {  	[sflag:s9] =	ssyncset.done $0x0  }
0xcd: {  	s23 =	sadd.s32 $0x8, s31;
	[sflag:s9] =	ssyncadd.s32 $0xFFFFE000  }
0xce: {  	[hbm4b:s23+s18] =	stream.strided.scatter [tilespmem:s16], [sflag:$0x3], $0x2000, s10, s18, $0x38;
	[tilespmem:$0xA600] =	vst v63  }
0xcf: {  	s28 =	simm.s32 $0x1000;
	_ =	swait.ge [sflag:s9], $0x2000  }
0xd0: {  	s24 =	simm.s32 $0x200;
	s23 =	sadd.s32 $0x20000, s8;
	[sflag:s9] =	ssyncset.done $0x0  }
.LBB2_4:
0xd1: {  	s29 =	sadd.s32 $0x1500, s24  }
0xd2: {  	[sflag:s9] =	ssyncadd.s32 $0xFFFFE000;
	s26 =	smov.u32 s28;
	s25 =	sadd.s32 $0x800, s28  }
0xd3: {  	[tilespmem:s15], [sflag:$0x2] =	stream.indirect.gather [hbm4b:s3+s10], $0x40, s29, s10, $0xb8;
	[tilespmem:$0xA600] =	vst v63  }
0xd4: {  	p0 =	sne.s32 s28, $0x3800;
	s28 =	sadd.s32 $0x1580, s24  }
0xd5: {  	[tilespmem:s16], [sflag:$0x2] =	stream.indirect.gather [hbm4b:s3+s10], $0x40, s28, s10, $0xb8;
	[tilespmem:$0xA600] =	vst v63  }
0xd6: {  	_ =	swait.ge [sflag:s17], $0x2000  }
0xd7: {  	[sflag:s17] =	ssyncset.done $0x0  }
0xd8: {  	[sflag:s17] =	ssyncadd.s32 $0xFFFFE000  }
0xd9: {  	_ =	swait.ge [sflag:s17], $0x2000  }
0xda: {  	[sflag:s17] =	ssyncset.done $0x0  }
0xdb: {  	[sflag:s17] =	ssyncadd.s32 $0xFFFFE000  }
0xdc: {  	[hbm4b:s23+s18] =	stream.strided.scatter [tilespmem:s12], [sflag:$0x3], $0x2000, s10, s18, $0x38;
	[tilespmem:$0xA600] =	vst v63  }
0xdd: {  	_ =	swait.ge [sflag:s9], $0x2000  }
0xde: {  	[sflag:s9] =	ssyncset.done $0x0  }
0xdf: {  	s28 =	sadd.s32 $0x8, s23;
	[sflag:s9] =	ssyncadd.s32 $0xFFFFE000  }
0xe0: {  	[hbm4b:s28+s18] =	stream.strided.scatter [tilespmem:s14], [sflag:$0x3], $0x2000, s10, s18, $0x38;
	[tilespmem:$0xA600] =	vst v63  }
0xe1: {  	_ =	swait.ge [sflag:s9], $0x2000  }
0xe2: {  	[sflag:s9] =	ssyncset.done $0x0  }
0xe3: {  	s28 =	sadd.s32 $0x1600, s24;
	[sflag:s9] =	ssyncadd.s32 $0xFFFFE000  }
0xe4: {  	[tilespmem:s12], [sflag:$0x1] =	stream.indirect.gather [hbm4b:s3+s10], $0x40, s28, s10, $0xb8;
	[tilespmem:$0xA600] =	vst v63  }
0xe5: {  	s24 =	sadd.s32 $0x1680, s24  }
0xe6: {  	[tilespmem:s14], [sflag:$0x1] =	stream.indirect.gather [hbm4b:s3+s10], $0x40, s24, s10, $0xb8;
	[tilespmem:$0xA600] =	vst v63  }
0xe7: {  	_ =	swait.ge [sflag:s19], $0x2000  }
0xe8: {  	[sflag:s19] =	ssyncset.done $0x0  }
0xe9: {  	[sflag:s19] =	ssyncadd.s32 $0xFFFFE000  }
0xea: {  	_ =	swait.ge [sflag:s19], $0x2000  }
0xeb: {  	[sflag:s19] =	ssyncset.done $0x0  }
0xec: {  	s24 =	sadd.s32 $0x10000, s23;
	[sflag:s19] =	ssyncadd.s32 $0xFFFFE000  }
0xed: {  	[hbm4b:s24+s18] =	stream.strided.scatter [tilespmem:s15], [sflag:$0x3], $0x2000, s10, s18, $0x38;
	[tilespmem:$0xA600] =	vst v63  }
0xee: {  	_ =	swait.ge [sflag:s9], $0x2000  }
.Ltmp1:
0xef: {  	[sflag:s9] =	ssyncset.done $0x0;
	(pc) =	sbr.rel @p0 .LBB2_4-.Ltmp1, $4  }
0xf0: {  	s24 =	sadd.s32 $0x8, s24;
	[sflag:s9] =	ssyncadd.s32 $0xFFFFE000  }
0xf1: {  	[hbm4b:s24+s18] =	stream.strided.scatter [tilespmem:s16], [sflag:$0x3], $0x2000, s10, s18, $0x38;
	[tilespmem:$0xA600] =	vst v63  }
0xf2: {  	s28 =	smov.u32 s25;
	_ =	swait.ge [sflag:s9], $0x2000  }
0xf3: {  	s23 =	sadd.s32 $0x20000, s23;
	s24 =	sshra.s32 s26, $0x2;
	[sflag:s9] =	ssyncset.done $0x0  }
0xf4: {  	s25 =	sadd.s32 $0x1500, s24;
	[sflag:s9] =	ssyncadd.s32 $0xFFFFE000  }
0xf5: {  	[tilespmem:s15], [sflag:$0x2] =	stream.indirect.gather [hbm4b:s3+s10], $0x40, s25, s10, $0xb8;
	[tilespmem:$0xA600] =	vst v63  }
0xf6: {  	s30 =	sadd.s32 $0x1580, s24  }
0xf7: {  	[tilespmem:s16], [sflag:$0x2] =	stream.indirect.gather [hbm4b:s3+s10], $0x40, s30, s10, $0xb8;
	[tilespmem:$0xA600] =	vst v63  }
0xf8: {  	_ =	swait.ge [sflag:s17], $0x2000  }
0xf9: {  	[sflag:s17] =	ssyncset.done $0x0  }
0xfa: {  	[sflag:s17] =	ssyncadd.s32 $0xFFFFE000  }
0xfb: {  	_ =	swait.ge [sflag:s17], $0x2000  }
0xfc: {  	[sflag:s17] =	ssyncset.done $0x0  }
0xfd: {  	[sflag:s17] =	ssyncadd.s32 $0xFFFFE000  }
0xfe: {  	[hbm4b:s23+s18] =	stream.strided.scatter [tilespmem:s12], [sflag:$0x3], $0x2000, s10, s18, $0x38;
	[tilespmem:$0xA600] =	vst v63  }
0xff: {  	_ =	swait.ge [sflag:s9], $0x2000  }
0x100: {  	[sflag:s9] =	ssyncset.done $0x0  }
0x101: {  	s31 =	sadd.s32 $0x8, s23;
	[sflag:s9] =	ssyncadd.s32 $0xFFFFE000  }
0x102: {  	[hbm4b:s31+s18] =	stream.strided.scatter [tilespmem:s14], [sflag:$0x3], $0x2000, s10, s18, $0x38;
	[tilespmem:$0xA600] =	vst v63  }
0x103: {  	_ =	swait.ge [sflag:s9], $0x2000  }
0x104: {  	[sflag:s9] =	ssyncset.done $0x0  }
0x105: {  	s26 =	sadd.s32 $0x1600, s24;
	[sflag:s9] =	ssyncadd.s32 $0xFFFFE000  }
0x106: {  	[tilespmem:s12], [sflag:$0x1] =	stream.indirect.gather [hbm4b:s3+s10], $0x40, s26, s10, $0xb8;
	[tilespmem:$0xA600] =	vst v63  }
0x107: {  	s28 =	sadd.s32 $0x1680, s24  }
0x108: {  	[tilespmem:s14], [sflag:$0x1] =	stream.indirect.gather [hbm4b:s3+s10], $0x40, s28, s10, $0xb8;
	[tilespmem:$0xA600] =	vst v63  }
0x109: {  	_ =	swait.ge [sflag:s19], $0x2000  }
0x10a: {  	[sflag:s19] =	ssyncset.done $0x0  }
0x10b: {  	[sflag:s19] =	ssyncadd.s32 $0xFFFFE000  }
0x10c: {  	_ =	swait.ge [sflag:s19], $0x2000  }
0x10d: {  	[sflag:s19] =	ssyncset.done $0x0  }
0x10e: {  	s29 =	sadd.s32 $0x10000, s23;
	[sflag:s19] =	ssyncadd.s32 $0xFFFFE000  }
0x10f: {  	[hbm4b:s29+s18] =	stream.strided.scatter [tilespmem:s15], [sflag:$0x3], $0x2000, s10, s18, $0x38;
	[tilespmem:$0xA600] =	vst v63  }
0x110: {  	_ =	swait.ge [sflag:s9], $0x2000  }
0x111: {  	[sflag:s9] =	ssyncset.done $0x0  }
0x112: {  	s23 =	sadd.s32 $0x8, s29;
	[sflag:s9] =	ssyncadd.s32 $0xFFFFE000  }
0x113: {  	[hbm4b:s23+s18] =	stream.strided.scatter [tilespmem:s16], [sflag:$0x3], $0x2000, s10, s18, $0x38;
	[tilespmem:$0xA600] =	vst v63  }
0x114: {  	_ =	swait.ge [sflag:s9], $0x2000  }
0x115: {  	[sflag:s9] =	ssyncset.done $0x0  }
0x116: {  	[sflag:s9] =	ssyncadd.s32 $0xFFFFE000  }
0x117: {  	[tilespmem:s15], [sflag:$0x2] =	stream.indirect.gather [hbm4b:s3+s10], $0x40, s20, s10, $0xb8;
	[tilespmem:$0xA600] =	vst v63  }
0x118: {  	_ = 	snop  }
0x119: {  	[tilespmem:s16], [sflag:$0x2] =	stream.indirect.gather [hbm4b:s3+s10], $0x40, s21, s10, $0xb8;
	[tilespmem:$0xA600] =	vst v63  }
0x11a: {  	_ =	swait.ge [sflag:s17], $0x2000  }
0x11b: {  	[sflag:s17] =	ssyncset.done $0x0  }
0x11c: {  	[sflag:s17] =	ssyncadd.s32 $0xFFFFE000  }
0x11d: {  	_ =	swait.ge [sflag:s17], $0x2000  }
0x11e: {  	[sflag:s17] =	ssyncset.done $0x0  }
0x11f: {  	[sflag:s17] =	ssyncadd.s32 $0xFFFFE000  }
0x120: {  	[hbm4b:s6+s18] =	stream.strided.scatter [tilespmem:s12], [sflag:$0x3], $0x2000, s10, s18, $0x38;
	[tilespmem:$0xA600] =	vst v63  }
0x121: {  	_ =	swait.ge [sflag:s9], $0x2000  }
0x122: {  	[sflag:s9] =	ssyncset.done $0x0  }
0x123: {  	s30 =	sadd.s32 $0x8, s6;
	[sflag:s9] =	ssyncadd.s32 $0xFFFFE000  }
0x124: {  	[hbm4b:s30+s18] =	stream.strided.scatter [tilespmem:s14], [sflag:$0x3], $0x2000, s10, s18, $0x38;
	[tilespmem:$0xA600] =	vst v63  }
0x125: {  	_ =	swait.ge [sflag:s9], $0x2000  }
0x126: {  	[sflag:s9] =	ssyncset.done $0x0  }
0x127: {  	[sflag:s9] =	ssyncadd.s32 $0xFFFFE000  }
0x128: {  	_ =	swait.ge [sflag:s19], $0x2000  }
0x129: {  	[sflag:s19] =	ssyncset.done $0x0  }
0x12a: {  	[sflag:s19] =	ssyncadd.s32 $0xFFFFE000  }
0x12b: {  	_ =	swait.ge [sflag:s19], $0x2000  }
0x12c: {  	[sflag:s19] =	ssyncset.done $0x0  }
0x12d: {  	[sflag:s19] =	ssyncadd.s32 $0xFFFFE000  }
0x12e: {  	[hbm4b:s7+s18] =	stream.strided.scatter [tilespmem:s15], [sflag:$0x3], $0x2000, s10, s18, $0x38;
	[tilespmem:$0xA600] =	vst v63  }
0x12f: {  	s22 =	sadd.s32 $0x1, s22;
	_ =	swait.ge [sflag:s9], $0x2000  }
0x130: {  	p0 =	sne.s32 s22, s5;
	[sflag:s9] =	ssyncset.done $0x0  }
.Ltmp2:
0x131: {  	s31 =	sadd.s32 $0x8, s7;
	[sflag:s9] =	ssyncadd.s32 $0xFFFFE000;
	(pc) =	sbr.rel @p0 .LBB2_1-.Ltmp2, $4  }
0x132: {  	[hbm4b:s31+s18] =	stream.strided.scatter [tilespmem:s16], [sflag:$0x3], $0x2000, s10, s18, $0x38;
	[tilespmem:$0xA600] =	vst v63  }
0x133: {  	_ =	swait.ge [sflag:s9], $0x2000  }
0x134: {  	[sflag:s9] =	ssyncset.done $0x0  }
0x135: {  	[sflag:s9] =	ssyncadd.s32 $0xFFFFE000  }
0x136: {  	_ =	sfence.sel $0x180000  }
0x137: {  	[bflag:$0x0] =	sbarrier.arrive $0xFFFF  }
0x138: {  	p0 =	sne.s32 s0, $0x0;
	_ =	strace $0x90000047  }
0x139: {  	s0 =	sadd.s32 @!p0 $0x100000, s1;
	[bflag:$0x2] =	sbarrier.arrive $0xFFFF  }
0x13a: {  	[sflag:s0] =	ssyncadd.tile.s32 @!p0 $0x1;
	_ =	shalt  }
.Lfunc_end2:
_tile_overlayer_lowered:
.L_overlay_start_2:
0x13b: {  	(tag) =	ssettag $0x2  }
0x13c: {  	s0 =	rddreg [dreg:$0x0];
	s2 =	stileid.u32  }
0x13d: {  	s1 =	rddreg [dreg:$0x1];
	p0 =	sne.s32 s2, $0x0  }
0x13e: {  	s3 =	rddreg [dreg:$0x2];
	[bflag:$0x3] =	sbarrier.arrive $0xFFFF;
	s2 =	simm.s32 @!p0 $0x1C03  }
0x13f: {  	[timem:s3], [sflag:s2] =	dma.local @!p0 [hbm:s0], s1  }
0x140: {  	s0 =	simm.s32 @!p0 $0x3  }
0x141: {  	_ =	swait.ge @!p0 [sflag:s0], s1  }
0x142: {  	s1 =	ssub.s32 @!p0 $0x0, s1;
	[sflag:s0] =	ssyncset.done @!p0 $0x0  }
0x143: {  	[sflag:s0] =	ssyncadd.s32 @!p0 s1  }
0x144: {  	[bflag:$0x3] =	sbarrier.arrive $0xFFFF  }
0x145: {  	_ =	shalt  }

</sc_bundles>
